<compile_context>
chip_gen: v7x
topology: tpu7x:2x2x1
jax: 0.10.2.dev20260603
libtpu: 0.0.44.dev20260713+nightly
codegen_flags: <defaults>
</compile_context>

<pallas_src>
import functools

import jax
import jax.numpy as jnp
from jax import lax
from jax.experimental import pallas as pl
from jax.experimental.pallas import tpu as pltpu
from jax.experimental.pallas import tpu_sc as plsc

_VOCAB = 100
_DIM = 64
_ROLES = 8
_BS = 4096
_MAX_LEN = 200

_NGRAMS = 3 * _MAX_LEN - 3
_C12_BI_OFF = 104
_C12_ZERO = 10104
_C12_ROWS = 10112
_C12_REPS = 8
_IDX_W = 640
_E3_BLOCK = 16384
_NW = 32
_ROWS_PER_W = _BS // _NW

_CHUNKS_A = ((0, 128), (128, 128), (256, 128), (384, 16))
_CHUNKS_B = ((400, 0, 104), (504, 104, 94))


def _proj_body(et_ref, w_ref, o_ref):
    y = lax.dot_general(
        et_ref[...], w_ref[...],
        dimension_numbers=(((0,), (0,)), ((), ())),
        preferred_element_type=jnp.float32)
    y3 = y.reshape(_E3_BLOCK // 8, 8, 16)
    o_ref[...] = jnp.concatenate([y3[:, k, :] for k in range(8)], axis=1)


def _c12_body(e1_ref, e2_ref, w_ref, o_ref):
    w = w_ref[...]
    p1 = jnp.dot(e1_ref[...], w, preferred_element_type=jnp.float32)
    o_ref[0:104, :] = jnp.concatenate(
        [p1, jnp.zeros((4, 16), jnp.float32)], axis=0)
    o_ref[104:10104, :] = jnp.dot(e2_ref[...], w,
                                  preferred_element_type=jnp.float32)
    o_ref[10104:10112, :] = jnp.zeros((8, 16), jnp.float32)


def _idx_body(m_ref, o_ref):
    m = m_ref[...]
    rows = m.shape[0]
    bi = _C12_BI_OFF + m[:, :199] + 100 * m[:, 1:200]
    tri = m[:, :198] + 100 * m[:, 1:199] + 10000 * m[:, 2:200]
    pad1 = jnp.full((rows, 1), _C12_ZERO, jnp.int32)
    pad2 = jnp.full((rows, _IDX_W - 598), _C12_ZERO, jnp.int32)
    o_ref[...] = jnp.concatenate([m, bi, pad1, tri, pad2], axis=1)


def _sca_body(c12_hbm, idx_hbm, outa_hbm, idx_v0, idx_v1, rows_v0, rows_v1,
              outblk_v, semi, semg0, semg1):
    wid = lax.axis_index("s") * 2 + lax.axis_index("c")
    base = wid * _ROWS_PER_W
    idx_b = (idx_v0, idx_v1)
    rows_b = (rows_v0, rows_v1)
    rep_off = (wid % _C12_REPS) * _C12_ROWS

    def gr(r):
        return jnp.minimum(base + r, _BS - 1)

    def adjust(p):
        iv = idx_b[p]
        roff = jnp.full((16,), rep_off, jnp.int32)

        @pl.loop(0, 25)
        def _(j):
            iv[pl.ds(16 * j, 16)] = iv[pl.ds(16 * j, 16)] + roff

    def fire_g(p, sem, r):
        for off, n in _CHUNKS_A:
            pltpu.async_copy(c12_hbm.at[idx_b[p].at[pl.ds(off, n)]],
                             rows_b[p].at[pl.ds(off, n)], sem)

    def wait_g(p, sem):
        for off, n in _CHUNKS_A:
            pltpu.make_async_copy(c12_hbm.at[idx_b[p].at[pl.ds(off, n)]],
                                  rows_b[p].at[pl.ds(off, n)], sem).wait()

    def wait_i(p, r):
        pltpu.make_async_copy(idx_hbm.at[gr(r)], idx_b[p], semi).wait()

    def reduce_to(p, i):
        rv = rows_b[p]

        def add4(j, accs):
            a0, a1, a2, a3 = accs
            return (a0 + rv[4 * j, :], a1 + rv[4 * j + 1, :],
                    a2 + rv[4 * j + 2, :], a3 + rv[4 * j + 3, :])
        zero = jnp.zeros((16,), jnp.float32)
        a0, a1, a2, a3 = lax.fori_loop(0, 100, add4, (zero, zero, zero, zero))
        outblk_v[i, :] = (a0 + a1) + (a2 + a3)

    pltpu.sync_copy(idx_hbm.at[base], idx_v0)
    adjust(0)
    fire_g(0, semg0, 0)
    pltpu.async_copy(idx_hbm.at[gr(1)], idx_v1, semi)

    @pl.loop(0, _ROWS_PER_W // 2)
    def _(i):
        r = 2 * i
        wait_i(1, r + 1)
        adjust(1)
        fire_g(1, semg1, r + 1)
        wait_g(0, semg0)
        pltpu.async_copy(idx_hbm.at[gr(r + 2)], idx_v0, semi)
        reduce_to(0, r)
        wait_i(0, r + 2)
        adjust(0)
        fire_g(0, semg0, r + 2)
        wait_g(1, semg1)
        pltpu.async_copy(idx_hbm.at[gr(r + 3)], idx_v1, semi)
        reduce_to(1, r + 1)

    wait_g(0, semg0)
    wait_i(1, 0)
    pltpu.sync_copy(outblk_v, outa_hbm.at[pl.ds(base, _ROWS_PER_W)])


def _scb_body(c3_hbm, idx_hbm, sa_hbm, b_hbm, out_hbm,
              idx_v0, idx_v1, rows_v0, rows_v1, outblk_v, b_v,
              semi, semg0, semg1):
    idx_b = (idx_v0, idx_v1)
    rows_b = (rows_v0, rows_v1)
    pltpu.sync_copy(b_hbm, b_v)
    for rv in rows_b:
        rv[198, :] = jnp.zeros((16,), jnp.float32)
        rv[199, :] = jnp.zeros((16,), jnp.float32)
    wid = lax.axis_index("s") * 2 + lax.axis_index("c")
    base = wid * _ROWS_PER_W
    pltpu.sync_copy(sa_hbm.at[pl.ds(base, _ROWS_PER_W)], outblk_v)

    def gr(r):
        return jnp.minimum(base + r, _BS - 1)

    def fire_g(p, sem):
        for off, doff, n in _CHUNKS_B:
            pltpu.async_copy(c3_hbm.at[idx_b[p].at[pl.ds(off, n)]],
                             rows_b[p].at[pl.ds(doff, n)], sem)

    def wait_g(p, sem):
        for off, doff, n in _CHUNKS_B:
            pltpu.make_async_copy(c3_hbm.at[idx_b[p].at[pl.ds(off, n)]],
                                  rows_b[p].at[pl.ds(doff, n)], sem).wait()

    def wait_i(p, r):
        pltpu.make_async_copy(idx_hbm.at[gr(r)], idx_b[p], semi).wait()

    def reduce_to(p, i):
        rv = rows_b[p]

        def add4(j, accs):
            a0, a1, a2, a3 = accs
            return (a0 + rv[4 * j, :], a1 + rv[4 * j + 1, :],
                    a2 + rv[4 * j + 2, :], a3 + rv[4 * j + 3, :])
        zero = jnp.zeros((16,), jnp.float32)
        a0, a1, a2, a3 = lax.fori_loop(0, 50, add4, (zero, zero, zero, zero))
        acc = ((a0 + a1) + (a2 + a3)) + outblk_v[i, :]
        outblk_v[i, :] = acc * jnp.float32(1.0 / _NGRAMS) + b_v[...]

    pltpu.sync_copy(idx_hbm.at[base], idx_v0)
    fire_g(0, semg0)
    pltpu.async_copy(idx_hbm.at[gr(1)], idx_v1, semi)

    @pl.loop(0, _ROWS_PER_W // 2)
    def _(i):
        r = 2 * i
        wait_i(1, r + 1)
        fire_g(1, semg1)
        wait_g(0, semg0)
        pltpu.async_copy(idx_hbm.at[gr(r + 2)], idx_v0, semi)
        reduce_to(0, r)
        wait_i(0, r + 2)
        fire_g(0, semg0)
        wait_g(1, semg1)
        pltpu.async_copy(idx_hbm.at[gr(r + 3)], idx_v1, semi)
        reduce_to(1, r + 1)

    wait_g(0, semg0)
    wait_i(1, 0)
    pltpu.sync_copy(outblk_v, out_hbm.at[pl.ds(base, _ROWS_PER_W)])


def kernel(msg, emb1, emb2, emb3, W, b):
    w16 = jnp.pad(W, ((0, 0), (0, 16 - _ROLES)))
    b16 = jnp.pad(b, (0, 16 - _ROLES))
    e3t = emb3.T

    n3 = emb3.shape[0]
    c3p = pl.pallas_call(
        _proj_body,
        grid=((n3 + _E3_BLOCK - 1) // _E3_BLOCK,),
        in_specs=[
            pl.BlockSpec((_DIM, _E3_BLOCK), lambda i: (0, i)),
            pl.BlockSpec((_DIM, 16), lambda i: (0, 0)),
        ],
        out_specs=pl.BlockSpec((_E3_BLOCK // 8, 128), lambda i: (i, 0)),
        out_shape=jax.ShapeDtypeStruct((n3 // 8, 128), jnp.float32),
        compiler_params=pltpu.CompilerParams(
            fuse_transposed_lhs_in_matmul=True),
    )(e3t, w16)
    c3 = c3p.reshape(n3, 16)

    c12 = pl.pallas_call(
        _c12_body,
        grid=(_C12_REPS,),
        in_specs=[
            pl.BlockSpec((_VOCAB, _DIM), lambda i: (0, 0)),
            pl.BlockSpec((_VOCAB ** 2, _DIM), lambda i: (0, 0)),
            pl.BlockSpec((_DIM, 16), lambda i: (0, 0)),
        ],
        out_specs=pl.BlockSpec((_C12_ROWS, 16), lambda i: (i, 0)),
        out_shape=jax.ShapeDtypeStruct((_C12_REPS * _C12_ROWS, 16),
                                       jnp.float32),
    )(emb1, emb2, w16)

    idx = pl.pallas_call(
        _idx_body,
        grid=(8,),
        in_specs=[pl.BlockSpec((_BS // 8, _MAX_LEN), lambda i: (i, 0))],
        out_specs=pl.BlockSpec((_BS // 8, _IDX_W), lambda i: (i, 0)),
        out_shape=jax.ShapeDtypeStruct((_BS, _IDX_W), jnp.int32),
    )(msg)

    mesh = plsc.VectorSubcoreMesh(core_axis_name="c", subcore_axis_name="s")
    sca = pl.kernel(
        _sca_body,
        mesh=mesh,
        compiler_params=pltpu.CompilerParams(use_tc_tiling_on_sc=False),
        out_type=jax.ShapeDtypeStruct((_BS, 16), jnp.float32),
        scratch_types=[
            pltpu.VMEM((_IDX_W,), jnp.int32),
            pltpu.VMEM((_IDX_W,), jnp.int32),
            pltpu.VMEM((400, 16), jnp.float32),
            pltpu.VMEM((400, 16), jnp.float32),
            pltpu.VMEM((_ROWS_PER_W, 16), jnp.float32),
            pltpu.SemaphoreType.DMA,
            pltpu.SemaphoreType.DMA,
            pltpu.SemaphoreType.DMA,
        ],
    )
    sa = sca(c12, idx)

    scb = pl.kernel(
        _scb_body,
        mesh=mesh,
        compiler_params=pltpu.CompilerParams(use_tc_tiling_on_sc=False),
        out_type=jax.ShapeDtypeStruct((_BS, 16), jnp.float32),
        scratch_types=[
            pltpu.VMEM((_IDX_W,), jnp.int32),
            pltpu.VMEM((_IDX_W,), jnp.int32),
            pltpu.VMEM((200, 16), jnp.float32),
            pltpu.VMEM((200, 16), jnp.float32),
            pltpu.VMEM((_ROWS_PER_W, 16), jnp.float32),
            pltpu.VMEM((16,), jnp.float32),
            pltpu.SemaphoreType.DMA,
            pltpu.SemaphoreType.DMA,
            pltpu.SemaphoreType.DMA,
        ],
    )
    out16 = scb(c3, idx, sa, b16)
    return out16[:, :_ROLES]

# --- scband reference (transcript-rebuilt; emitter-appended) ---
"""Pipeline reference for scband-ngram-model-7791070674958 (READ-ONLY COPY).

The authoritative reference and input builder live on the scoring server;
editing this copy changes nothing except your own understanding.
"""

import jax, jax.numpy as jnp
import numpy as np

VOCAB = 100
DIM = 64
N = 3
ROLES = 8
BS = 4096
MAX_LEN = 200


def setup_inputs(seed: int = 0) -> dict:
    key = jax.random.key(seed)
    k1, k2, k3, k4, k5, k6 = jax.random.split(key, 6)
    msg = jax.random.randint(k1, (BS, MAX_LEN), 0, VOCAB, dtype=jnp.int32)
    emb1 = jax.random.normal(k2, (VOCAB, DIM), dtype=jnp.float32) * 0.02
    emb2 = jax.random.normal(k3, (VOCAB ** 2, DIM), dtype=jnp.float32) * 0.02
    emb3 = jax.random.normal(k4, (VOCAB ** 3, DIM), dtype=jnp.float32) * 0.02
    W = jax.random.normal(k5, (DIM, ROLES), dtype=jnp.float32) * 0.05
    b = jax.random.normal(k6, (ROLES,), dtype=jnp.float32) * 0.01
    return {"msg": msg, "emb1": emb1, "emb2": emb2, "emb3": emb3, "W": W, "b": b}


def reference(msg, emb1, emb2, emb3, W, b):
    bs, max_len = msg.shape
    # unigram embeddings: gather + sum over sequence
    E = jnp.take(emb1, msg, axis=0).sum(axis=1)
    S = max_len
    tables = [emb2, emb3]
    for i in range(2, N + 1):
        tab = tables[i - 2]
        factors = (VOCAB ** jnp.arange(i, dtype=jnp.int32)).astype(jnp.int32)
        for offset in range(i):
            m = (max_len - offset) % i
            chunk = msg[:, offset:max_len - m].reshape(bs, -1, i)
            idx = (chunk * factors[None, None, :]).sum(axis=2)
            S += idx.shape[1]
            E = E + jnp.take(tab, idx, axis=0).sum(axis=1)
    features = E / S
    return features @ W + b

if __name__ == "__main__":
    import jax
    _d = setup_inputs()
    print(jax.jit(kernel)(*tuple(_d.values())))

</pallas_src>

<mosaic_0001>
#map = affine_map<(d0, d1) -> (0, 0)>
module attributes {stable_mosaic.version = 14 : i64} {
  func.func @_sca_body(%arg0: i32, %arg1: i32, %arg2: memref<80896x16xf32, #tpu.memory_space<hbm>>, %arg3: memref<4096x640xi32, #tpu.memory_space<hbm>>, %arg4: memref<4096x16xf32, #tpu.memory_space<hbm>>, %arg5: memref<640xi32, #tpu.memory_space<vmem>>, %arg6: memref<640xi32, #tpu.memory_space<vmem>>, %arg7: memref<400x16xf32, #tpu.memory_space<vmem>>, %arg8: memref<400x16xf32, #tpu.memory_space<vmem>>, %arg9: memref<128x16xf32, #tpu.memory_space<vmem>>, %arg10: memref<!tpu.dma_semaphore, #tpu.memory_space<semaphore_mem>>, %arg11: memref<!tpu.dma_semaphore, #tpu.memory_space<semaphore_mem>>, %arg12: memref<!tpu.dma_semaphore, #tpu.memory_space<semaphore_mem>>) attributes {dimension_semantics = [#tpu.dimension_semantics<core_parallel>, #tpu.dimension_semantics<subcore_parallel>], iteration_bounds = array<i64: 2, 16>, scalar_prefetch = 0 : i64, scratch_operands = 8 : i64, tpu.core_type = #tpu.core_type<sc_vector_subcore>, window_params = [{transform_indices = #map}, {transform_indices = #map}, {transform_indices = #map}]} {
    %mul3A = arith.constant 2 : i32
    %mul3A_0 = arith.muli %arg1, %mul3A : i32
    %add3A = arith.addi %mul3A_0, %arg0 : i32
    %mul3A_1 = arith.constant 128 : i32
    %mul3A_2 = arith.muli %add3A, %mul3A_1 : i32
    %jit3A = arith.constant 8 : i32
    %eq3A = arith.constant 0 : i32
    %eq3A_3 = arith.cmpi eq, %jit3A, %eq3A : i32
    %jit3A_4 = arith.constant 1 : i32
    %select_n3A = arith.select %eq3A_3, %jit3A_4, %jit3A : i32
    %rem3A = arith.remsi %add3A, %select_n3A : i32
    %ne3A = arith.constant 0 : i32
    %ne3A_5 = arith.cmpi ne, %rem3A, %ne3A : i32
    %lt3A = arith.constant 0 : i32
    %lt3A_6 = arith.cmpi slt, %rem3A, %lt3A : i32
    %lt3A_7 = arith.constant 0 : i32
    %lt3A_8 = arith.cmpi slt, %select_n3A, %lt3A_7 : i32
    %ne3A_9 = arith.xori %lt3A_6, %lt3A_8 : i1
    %and3A = arith.andi %ne3A_9, %ne3A_5 : i1
    %add3A_10 = arith.addi %rem3A, %select_n3A : i32
    %select_n3A_11 = arith.select %and3A, %add3A_10, %rem3A : i32
    %mul3A_12 = arith.constant 10112 : i32
    %mul3A_13 = arith.muli %select_n3A_11, %mul3A_12 : i32
    "tpu.region"() ({
      %run_scoped3A = tpu.sem_alloc : memref<!tpu.dma_semaphore, #tpu.memory_space<semaphore_mem>>
      %dma_start3A_104 = arith.constant 0 : i32
      %dma_start3A_105 = tpu.memref_slice %arg3[%mul3A_2, %dma_start3A_104] : memref<4096x640xi32, #tpu.memory_space<hbm>> -> memref<1x640xi32, #tpu.memory_space<hbm>>
      %dma_start3A_106 = tpu.memref_squeeze %dma_start3A_105 : memref<1x640xi32, #tpu.memory_space<hbm>> -> memref<640xi32, #tpu.memory_space<hbm>>
      %dma_start3A_107 = arith.constant 0 : i32
      %dma_start3A_108 = tpu.memref_slice %arg3[%mul3A_2, %dma_start3A_107] : memref<4096x640xi32, #tpu.memory_space<hbm>> -> memref<1x640xi32, #tpu.memory_space<hbm>>
      %dma_start3A_109 = tpu.memref_squeeze %dma_start3A_108 : memref<1x640xi32, #tpu.memory_space<hbm>> -> memref<640xi32, #tpu.memory_space<hbm>>
      tpu.enqueue_dma source(%dma_start3A_109 : memref<640xi32, #tpu.memory_space<hbm>>) target(%arg5 : memref<640xi32, #tpu.memory_space<vmem>>) target_semaphore(%run_scoped3A : memref<!tpu.dma_semaphore, #tpu.memory_space<semaphore_mem>>)
      %dma_wait3A_110 = arith.constant 0 : i32
      %dma_wait3A_111 = tpu.memref_slice %arg3[%mul3A_2, %dma_wait3A_110] : memref<4096x640xi32, #tpu.memory_space<hbm>> -> memref<1x640xi32, #tpu.memory_space<hbm>>
      %dma_wait3A_112 = tpu.memref_squeeze %dma_wait3A_111 : memref<1x640xi32, #tpu.memory_space<hbm>> -> memref<640xi32, #tpu.memory_space<hbm>>
      %dma_wait3A_113 = arith.constant 0 : i32
      %dma_wait3A_114 = tpu.memref_slice %arg3[%mul3A_2, %dma_wait3A_113] : memref<4096x640xi32, #tpu.memory_space<hbm>> -> memref<1x640xi32, #tpu.memory_space<hbm>>
      %dma_wait3A_115 = tpu.memref_squeeze %dma_wait3A_114 : memref<1x640xi32, #tpu.memory_space<hbm>> -> memref<640xi32, #tpu.memory_space<hbm>>
      tpu.wait_dma2 semaphore(%run_scoped3A : memref<!tpu.dma_semaphore, #tpu.memory_space<semaphore_mem>>) src(%dma_wait3A_115 : memref<640xi32, #tpu.memory_space<hbm>>) dst(%arg5 : memref<640xi32, #tpu.memory_space<vmem>>)
      tpu.yield
    }) : () -> ()
    %broadcast_in_dim3A = vector.broadcast %mul3A_13 : i32 to vector<16xi32>
    %scan3A = arith.constant 0 : i32
    %scan3A_14 = arith.constant 25 : i32
    %scan3A_15 = arith.addi %scan3A, %scan3A_14 : i32
    %scan3A_16 = arith.constant 1 : i32
    scf.for %scan3A_104 = %scan3A to %scan3A_15 step %scan3A_16  : i32 {
      %mul3A_105 = arith.constant 1 : i32
      %mul3A_106 = arith.muli %scan3A_104, %mul3A_105 : i32
      %add3A_107 = arith.constant 0 : i32
      %add3A_108 = arith.addi %add3A_107, %mul3A_106 : i32
      %mul3A_109 = arith.constant 16 : i32
      %mul3A_110 = arith.muli %mul3A_109, %add3A_108 : i32
      %get3A = arith.index_cast %mul3A_110 : i32 to index
      %get3A_111 = tpu.vector_load %arg5[%get3A] {strides = array<i32>} : memref<640xi32, #tpu.memory_space<vmem>>, vector<16xi32>,
      %get3A_112 = vector.shape_cast %get3A_111 : vector<16xi32> to vector<16xi32>
      %add3A_113 = arith.addi %get3A_112, %broadcast_in_dim3A : vector<16xi32>
      %mul3A_114 = arith.constant 16 : i32
      %mul3A_115 = arith.muli %mul3A_114, %add3A_108 : i32
      %swap3A = arith.index_cast %mul3A_115 : i32 to index
      %swap3A_116 = tpu.vector_load %arg5[%swap3A] {strides = array<i32>} : memref<640xi32, #tpu.memory_space<vmem>>, vector<16xi32>,
      %swap3A_117 = vector.shape_cast %swap3A_116 : vector<16xi32> to vector<16xi32>
      %swap3A_118 = vector.shape_cast %add3A_113 : vector<16xi32> to vector<16xi32>
      tpu.vector_store %arg5[%swap3A], %swap3A_118 {strides = array<i32>} : memref<640xi32, #tpu.memory_space<vmem>>, vector<16xi32>,
    }
    %scan3A_17 = arith.constant 25 : i32
    %dma_start3A = arith.constant 0 : i32
    %dma_start3A_18 = arith.constant 0 : i32
    %dma_start3A_19 = tpu.memref_slice %arg7[%dma_start3A, %dma_start3A_18] : memref<400x16xf32, #tpu.memory_space<vmem>> -> memref<128x16xf32, #tpu.memory_space<vmem>>
    %dma_start3A_20 = arith.constant 0 : i32
    %dma_start3A_21 = tpu.memref_slice %arg5[%dma_start3A_20] : memref<640xi32, #tpu.memory_space<vmem>> -> memref<128xi32, #tpu.memory_space<vmem>>
    %dma_start3A_22 = arith.constant 0 : i32
    %dma_start3A_23 = arith.constant 0 : i32
    %dma_start3A_24 = tpu.memref_slice %arg2[%dma_start3A_22, %dma_start3A_23] : memref<80896x16xf32, #tpu.memory_space<hbm>> -> memref<80896x16xf32, #tpu.memory_space<hbm>>
    tpu.enqueue_indirect_dma source(%dma_start3A_24 : memref<80896x16xf32, #tpu.memory_space<hbm>>) target(%dma_start3A_19 : memref<128x16xf32, #tpu.memory_space<vmem>>) offsets(%dma_start3A_21 : memref<128xi32, #tpu.memory_space<vmem>>) semaphore(%arg11 : memref<!tpu.dma_semaphore, #tpu.memory_space<semaphore_mem>>)
    %dma_start3A_25 = arith.constant 128 : i32
    %dma_start3A_26 = arith.constant 0 : i32
    %dma_start3A_27 = tpu.memref_slice %arg7[%dma_start3A_25, %dma_start3A_26] : memref<400x16xf32, #tpu.memory_space<vmem>> -> memref<128x16xf32, #tpu.memory_space<vmem>>
    %dma_start3A_28 = arith.constant 128 : i32
    %dma_start3A_29 = tpu.memref_slice %arg5[%dma_start3A_28] : memref<640xi32, #tpu.memory_space<vmem>> -> memref<128xi32, #tpu.memory_space<vmem>>
    %dma_start3A_30 = arith.constant 0 : i32
    %dma_start3A_31 = arith.constant 0 : i32
    %dma_start3A_32 = tpu.memref_slice %arg2[%dma_start3A_30, %dma_start3A_31] : memref<80896x16xf32, #tpu.memory_space<hbm>> -> memref<80896x16xf32, #tpu.memory_space<hbm>>
    tpu.enqueue_indirect_dma source(%dma_start3A_32 : memref<80896x16xf32, #tpu.memory_space<hbm>>) target(%dma_start3A_27 : memref<128x16xf32, #tpu.memory_space<vmem>>) offsets(%dma_start3A_29 : memref<128xi32, #tpu.memory_space<vmem>>) semaphore(%arg11 : memref<!tpu.dma_semaphore, #tpu.memory_space<semaphore_mem>>)
    %dma_start3A_33 = arith.constant 256 : i32
    %dma_start3A_34 = arith.constant 0 : i32
    %dma_start3A_35 = tpu.memref_slice %arg7[%dma_start3A_33, %dma_start3A_34] : memref<400x16xf32, #tpu.memory_space<vmem>> -> memref<128x16xf32, #tpu.memory_space<vmem>>
    %dma_start3A_36 = arith.constant 256 : i32
    %dma_start3A_37 = tpu.memref_slice %arg5[%dma_start3A_36] : memref<640xi32, #tpu.memory_space<vmem>> -> memref<128xi32, #tpu.memory_space<vmem>>
    %dma_start3A_38 = arith.constant 0 : i32
    %dma_start3A_39 = arith.constant 0 : i32
    %dma_start3A_40 = tpu.memref_slice %arg2[%dma_start3A_38, %dma_start3A_39] : memref<80896x16xf32, #tpu.memory_space<hbm>> -> memref<80896x16xf32, #tpu.memory_space<hbm>>
    tpu.enqueue_indirect_dma source(%dma_start3A_40 : memref<80896x16xf32, #tpu.memory_space<hbm>>) target(%dma_start3A_35 : memref<128x16xf32, #tpu.memory_space<vmem>>) offsets(%dma_start3A_37 : memref<128xi32, #tpu.memory_space<vmem>>) semaphore(%arg11 : memref<!tpu.dma_semaphore, #tpu.memory_space<semaphore_mem>>)
    %dma_start3A_41 = arith.constant 384 : i32
    %dma_start3A_42 = arith.constant 0 : i32
    %dma_start3A_43 = tpu.memref_slice %arg7[%dma_start3A_41, %dma_start3A_42] : memref<400x16xf32, #tpu.memory_space<vmem>> -> memref<16x16xf32, #tpu.memory_space<vmem>>
    %dma_start3A_44 = arith.constant 384 : i32
    %dma_start3A_45 = tpu.memref_slice %arg5[%dma_start3A_44] : memref<640xi32, #tpu.memory_space<vmem>> -> memref<16xi32, #tpu.memory_space<vmem>>
    %dma_start3A_46 = arith.constant 0 : i32
    %dma_start3A_47 = arith.constant 0 : i32
    %dma_start3A_48 = tpu.memref_slice %arg2[%dma_start3A_46, %dma_start3A_47] : memref<80896x16xf32, #tpu.memory_space<hbm>> -> memref<80896x16xf32, #tpu.memory_space<hbm>>
    tpu.enqueue_indirect_dma source(%dma_start3A_48 : memref<80896x16xf32, #tpu.memory_space<hbm>>) target(%dma_start3A_43 : memref<16x16xf32, #tpu.memory_space<vmem>>) offsets(%dma_start3A_45 : memref<16xi32, #tpu.memory_space<vmem>>) semaphore(%arg11 : memref<!tpu.dma_semaphore, #tpu.memory_space<semaphore_mem>>)
    %add3A_49 = arith.constant 1 : i32
    %add3A_50 = arith.addi %mul3A_2, %add3A_49 : i32
    %min3A = arith.constant 4095 : i32
    %min3A_51 = arith.minsi %add3A_50, %min3A : i32
    %dma_start3A_52 = arith.constant 0 : i32
    %dma_start3A_53 = tpu.memref_slice %arg3[%min3A_51, %dma_start3A_52] : memref<4096x640xi32, #tpu.memory_space<hbm>> -> memref<1x640xi32, #tpu.memory_space<hbm>>
    %dma_start3A_54 = tpu.memref_squeeze %dma_start3A_53 : memref<1x640xi32, #tpu.memory_space<hbm>> -> memref<640xi32, #tpu.memory_space<hbm>>
    %dma_start3A_55 = arith.constant 0 : i32
    %dma_start3A_56 = tpu.memref_slice %arg3[%min3A_51, %dma_start3A_55] : memref<4096x640xi32, #tpu.memory_space<hbm>> -> memref<1x640xi32, #tpu.memory_space<hbm>>
    %dma_start3A_57 = tpu.memref_squeeze %dma_start3A_56 : memref<1x640xi32, #tpu.memory_space<hbm>> -> memref<640xi32, #tpu.memory_space<hbm>>
    tpu.enqueue_dma source(%dma_start3A_57 : memref<640xi32, #tpu.memory_space<hbm>>) target(%arg6 : memref<640xi32, #tpu.memory_space<vmem>>) target_semaphore(%arg10 : memref<!tpu.dma_semaphore, #tpu.memory_space<semaphore_mem>>)
    %scan3A_58 = arith.constant 0 : i32
    %scan3A_59 = arith.constant 64 : i32
    %scan3A_60 = arith.addi %scan3A_58, %scan3A_59 : i32
    %scan3A_61 = arith.constant 1 : i32
    scf.for %scan3A_104 = %scan3A_58 to %scan3A_60 step %scan3A_61  : i32 {
      %mul3A_105 = arith.constant 1 : i32
      %mul3A_106 = arith.muli %scan3A_104, %mul3A_105 : i32
      %add3A_107 = arith.constant 0 : i32
      %add3A_108 = arith.addi %add3A_107, %mul3A_106 : i32
      %mul3A_109 = arith.constant 2 : i32
      %mul3A_110 = arith.muli %mul3A_109, %add3A_108 : i32
      %add3A_111 = arith.constant 1 : i32
      %add3A_112 = arith.addi %mul3A_110, %add3A_111 : i32
      %add3A_113 = arith.addi %mul3A_2, %add3A_112 : i32
      %min3A_114 = arith.constant 4095 : i32
      %min3A_115 = arith.minsi %add3A_113, %min3A_114 : i32
      %dma_wait3A_116 = arith.constant 0 : i32
      %dma_wait3A_117 = tpu.memref_slice %arg3[%min3A_115, %dma_wait3A_116] : memref<4096x640xi32, #tpu.memory_space<hbm>> -> memref<1x640xi32, #tpu.memory_space<hbm>>
      %dma_wait3A_118 = tpu.memref_squeeze %dma_wait3A_117 : memref<1x640xi32, #tpu.memory_space<hbm>> -> memref<640xi32, #tpu.memory_space<hbm>>
      %dma_wait3A_119 = arith.constant 0 : i32
      %dma_wait3A_120 = tpu.memref_slice %arg3[%min3A_115, %dma_wait3A_119] : memref<4096x640xi32, #tpu.memory_space<hbm>> -> memref<1x640xi32, #tpu.memory_space<hbm>>
      %dma_wait3A_121 = tpu.memref_squeeze %dma_wait3A_120 : memref<1x640xi32, #tpu.memory_space<hbm>> -> memref<640xi32, #tpu.memory_space<hbm>>
      tpu.wait_dma2 semaphore(%arg10 : memref<!tpu.dma_semaphore, #tpu.memory_space<semaphore_mem>>) src(%dma_wait3A_121 : memref<640xi32, #tpu.memory_space<hbm>>) dst(%arg6 : memref<640xi32, #tpu.memory_space<vmem>>)
      %broadcast_in_dim3A_122 = vector.broadcast %mul3A_13 : i32 to vector<16xi32>
      %scan3A_123 = arith.constant 0 : i32
      %scan3A_124 = arith.constant 25 : i32
      %scan3A_125 = arith.addi %scan3A_123, %scan3A_124 : i32
      %scan3A_126 = arith.constant 1 : i32
      scf.for %scan3A_332 = %scan3A_123 to %scan3A_125 step %scan3A_126  : i32 {
        %mul3A_333 = arith.constant 1 : i32
        %mul3A_334 = arith.muli %scan3A_332, %mul3A_333 : i32
        %add3A_335 = arith.constant 0 : i32
        %add3A_336 = arith.addi %add3A_335, %mul3A_334 : i32
        %mul3A_337 = arith.constant 16 : i32
        %mul3A_338 = arith.muli %mul3A_337, %add3A_336 : i32
        %get3A = arith.index_cast %mul3A_338 : i32 to index
        %get3A_339 = tpu.vector_load %arg6[%get3A] {strides = array<i32>} : memref<640xi32, #tpu.memory_space<vmem>>, vector<16xi32>,
        %get3A_340 = vector.shape_cast %get3A_339 : vector<16xi32> to vector<16xi32>
        %add3A_341 = arith.addi %get3A_340, %broadcast_in_dim3A_122 : vector<16xi32>
        %mul3A_342 = arith.constant 16 : i32
        %mul3A_343 = arith.muli %mul3A_342, %add3A_336 : i32
        %swap3A_344 = arith.index_cast %mul3A_343 : i32 to index
        %swap3A_345 = tpu.vector_load %arg6[%swap3A_344] {strides = array<i32>} : memref<640xi32, #tpu.memory_space<vmem>>, vector<16xi32>,
        %swap3A_346 = vector.shape_cast %swap3A_345 : vector<16xi32> to vector<16xi32>
        %swap3A_347 = vector.shape_cast %add3A_341 : vector<16xi32> to vector<16xi32>
        tpu.vector_store %arg6[%swap3A_344], %swap3A_347 {strides = array<i32>} : memref<640xi32, #tpu.memory_space<vmem>>, vector<16xi32>,
      }
      %scan3A_127 = arith.constant 25 : i32
      %add3A_128 = arith.constant 1 : i32
      %add3A_129 = arith.addi %mul3A_110, %add3A_128 : i32
      %dma_start3A_130 = arith.constant 0 : i32
      %dma_start3A_131 = arith.constant 0 : i32
      %dma_start3A_132 = tpu.memref_slice %arg8[%dma_start3A_130, %dma_start3A_131] : memref<400x16xf32, #tpu.memory_space<vmem>> -> memref<128x16xf32, #tpu.memory_space<vmem>>
      %dma_start3A_133 = arith.constant 0 : i32
      %dma_start3A_134 = tpu.memref_slice %arg6[%dma_start3A_133] : memref<640xi32, #tpu.memory_space<vmem>> -> memref<128xi32, #tpu.memory_space<vmem>>
      %dma_start3A_135 = arith.constant 0 : i32
      %dma_start3A_136 = arith.constant 0 : i32
      %dma_start3A_137 = tpu.memref_slice %arg2[%dma_start3A_135, %dma_start3A_136] : memref<80896x16xf32, #tpu.memory_space<hbm>> -> memref<80896x16xf32, #tpu.memory_space<hbm>>
      tpu.enqueue_indirect_dma source(%dma_start3A_137 : memref<80896x16xf32, #tpu.memory_space<hbm>>) target(%dma_start3A_132 : memref<128x16xf32, #tpu.memory_space<vmem>>) offsets(%dma_start3A_134 : memref<128xi32, #tpu.memory_space<vmem>>) semaphore(%arg12 : memref<!tpu.dma_semaphore, #tpu.memory_space<semaphore_mem>>)
      %dma_start3A_138 = arith.constant 128 : i32
      %dma_start3A_139 = arith.constant 0 : i32
      %dma_start3A_140 = tpu.memref_slice %arg8[%dma_start3A_138, %dma_start3A_139] : memref<400x16xf32, #tpu.memory_space<vmem>> -> memref<128x16xf32, #tpu.memory_space<vmem>>
      %dma_start3A_141 = arith.constant 128 : i32
      %dma_start3A_142 = tpu.memref_slice %arg6[%dma_start3A_141] : memref<640xi32, #tpu.memory_space<vmem>> -> memref<128xi32, #tpu.memory_space<vmem>>
      %dma_start3A_143 = arith.constant 0 : i32
      %dma_start3A_144 = arith.constant 0 : i32
      %dma_start3A_145 = tpu.memref_slice %arg2[%dma_start3A_143, %dma_start3A_144] : memref<80896x16xf32, #tpu.memory_space<hbm>> -> memref<80896x16xf32, #tpu.memory_space<hbm>>
      tpu.enqueue_indirect_dma source(%dma_start3A_145 : memref<80896x16xf32, #tpu.memory_space<hbm>>) target(%dma_start3A_140 : memref<128x16xf32, #tpu.memory_space<vmem>>) offsets(%dma_start3A_142 : memref<128xi32, #tpu.memory_space<vmem>>) semaphore(%arg12 : memref<!tpu.dma_semaphore, #tpu.memory_space<semaphore_mem>>)
      %dma_start3A_146 = arith.constant 256 : i32
      %dma_start3A_147 = arith.constant 0 : i32
      %dma_start3A_148 = tpu.memref_slice %arg8[%dma_start3A_146, %dma_start3A_147] : memref<400x16xf32, #tpu.memory_space<vmem>> -> memref<128x16xf32, #tpu.memory_space<vmem>>
      %dma_start3A_149 = arith.constant 256 : i32
      %dma_start3A_150 = tpu.memref_slice %arg6[%dma_start3A_149] : memref<640xi32, #tpu.memory_space<vmem>> -> memref<128xi32, #tpu.memory_space<vmem>>
      %dma_start3A_151 = arith.constant 0 : i32
      %dma_start3A_152 = arith.constant 0 : i32
      %dma_start3A_153 = tpu.memref_slice %arg2[%dma_start3A_151, %dma_start3A_152] : memref<80896x16xf32, #tpu.memory_space<hbm>> -> memref<80896x16xf32, #tpu.memory_space<hbm>>
      tpu.enqueue_indirect_dma source(%dma_start3A_153 : memref<80896x16xf32, #tpu.memory_space<hbm>>) target(%dma_start3A_148 : memref<128x16xf32, #tpu.memory_space<vmem>>) offsets(%dma_start3A_150 : memref<128xi32, #tpu.memory_space<vmem>>) semaphore(%arg12 : memref<!tpu.dma_semaphore, #tpu.memory_space<semaphore_mem>>)
      %dma_start3A_154 = arith.constant 384 : i32
      %dma_start3A_155 = arith.constant 0 : i32
      %dma_start3A_156 = tpu.memref_slice %arg8[%dma_start3A_154, %dma_start3A_155] : memref<400x16xf32, #tpu.memory_space<vmem>> -> memref<16x16xf32, #tpu.memory_space<vmem>>
      %dma_start3A_157 = arith.constant 384 : i32
      %dma_start3A_158 = tpu.memref_slice %arg6[%dma_start3A_157] : memref<640xi32, #tpu.memory_space<vmem>> -> memref<16xi32, #tpu.memory_space<vmem>>
      %dma_start3A_159 = arith.constant 0 : i32
      %dma_start3A_160 = arith.constant 0 : i32
      %dma_start3A_161 = tpu.memref_slice %arg2[%dma_start3A_159, %dma_start3A_160] : memref<80896x16xf32, #tpu.memory_space<hbm>> -> memref<80896x16xf32, #tpu.memory_space<hbm>>
      tpu.enqueue_indirect_dma source(%dma_start3A_161 : memref<80896x16xf32, #tpu.memory_space<hbm>>) target(%dma_start3A_156 : memref<16x16xf32, #tpu.memory_space<vmem>>) offsets(%dma_start3A_158 : memref<16xi32, #tpu.memory_space<vmem>>) semaphore(%arg12 : memref<!tpu.dma_semaphore, #tpu.memory_space<semaphore_mem>>)
      %dma_wait3A_162 = arith.constant 0 : i32
      %dma_wait3A_163 = arith.constant 0 : i32
      %dma_wait3A_164 = tpu.memref_slice %arg7[%dma_wait3A_162, %dma_wait3A_163] : memref<400x16xf32, #tpu.memory_space<vmem>> -> memref<128x16xf32, #tpu.memory_space<vmem>>
      %dma_wait3A_165 = arith.constant 0 : i32
      %dma_wait3A_166 = tpu.memref_slice %arg5[%dma_wait3A_165] : memref<640xi32, #tpu.memory_space<vmem>> -> memref<128xi32, #tpu.memory_space<vmem>>
      %dma_wait3A_167 = arith.constant 0 : i32
      %dma_wait3A_168 = arith.constant 0 : i32
      %dma_wait3A_169 = tpu.memref_slice %arg2[%dma_wait3A_167, %dma_wait3A_168] : memref<80896x16xf32, #tpu.memory_space<hbm>> -> memref<80896x16xf32, #tpu.memory_space<hbm>>
      tpu.wait_indirect_dma semaphore(%arg11 : memref<!tpu.dma_semaphore, #tpu.memory_space<semaphore_mem>>) src(%dma_wait3A_169 : memref<80896x16xf32, #tpu.memory_space<hbm>>) dst(%dma_wait3A_164 : memref<128x16xf32, #tpu.memory_space<vmem>>)
      %dma_wait3A_170 = arith.constant 128 : i32
      %dma_wait3A_171 = arith.constant 0 : i32
      %dma_wait3A_172 = tpu.memref_slice %arg7[%dma_wait3A_170, %dma_wait3A_171] : memref<400x16xf32, #tpu.memory_space<vmem>> -> memref<128x16xf32, #tpu.memory_space<vmem>>
      %dma_wait3A_173 = arith.constant 128 : i32
      %dma_wait3A_174 = tpu.memref_slice %arg5[%dma_wait3A_173] : memref<640xi32, #tpu.memory_space<vmem>> -> memref<128xi32, #tpu.memory_space<vmem>>
      %dma_wait3A_175 = arith.constant 0 : i32
      %dma_wait3A_176 = arith.constant 0 : i32
      %dma_wait3A_177 = tpu.memref_slice %arg2[%dma_wait3A_175, %dma_wait3A_176] : memref<80896x16xf32, #tpu.memory_space<hbm>> -> memref<80896x16xf32, #tpu.memory_space<hbm>>
      tpu.wait_indirect_dma semaphore(%arg11 : memref<!tpu.dma_semaphore, #tpu.memory_space<semaphore_mem>>) src(%dma_wait3A_177 : memref<80896x16xf32, #tpu.memory_space<hbm>>) dst(%dma_wait3A_172 : memref<128x16xf32, #tpu.memory_space<vmem>>)
      %dma_wait3A_178 = arith.constant 256 : i32
      %dma_wait3A_179 = arith.constant 0 : i32
      %dma_wait3A_180 = tpu.memref_slice %arg7[%dma_wait3A_178, %dma_wait3A_179] : memref<400x16xf32, #tpu.memory_space<vmem>> -> memref<128x16xf32, #tpu.memory_space<vmem>>
      %dma_wait3A_181 = arith.constant 256 : i32
      %dma_wait3A_182 = tpu.memref_slice %arg5[%dma_wait3A_181] : memref<640xi32, #tpu.memory_space<vmem>> -> memref<128xi32, #tpu.memory_space<vmem>>
      %dma_wait3A_183 = arith.constant 0 : i32
      %dma_wait3A_184 = arith.constant 0 : i32
      %dma_wait3A_185 = tpu.memref_slice %arg2[%dma_wait3A_183, %dma_wait3A_184] : memref<80896x16xf32, #tpu.memory_space<hbm>> -> memref<80896x16xf32, #tpu.memory_space<hbm>>
      tpu.wait_indirect_dma semaphore(%arg11 : memref<!tpu.dma_semaphore, #tpu.memory_space<semaphore_mem>>) src(%dma_wait3A_185 : memref<80896x16xf32, #tpu.memory_space<hbm>>) dst(%dma_wait3A_180 : memref<128x16xf32, #tpu.memory_space<vmem>>)
      %dma_wait3A_186 = arith.constant 384 : i32
      %dma_wait3A_187 = arith.constant 0 : i32
      %dma_wait3A_188 = tpu.memref_slice %arg7[%dma_wait3A_186, %dma_wait3A_187] : memref<400x16xf32, #tpu.memory_space<vmem>> -> memref<16x16xf32, #tpu.memory_space<vmem>>
      %dma_wait3A_189 = arith.constant 384 : i32
      %dma_wait3A_190 = tpu.memref_slice %arg5[%dma_wait3A_189] : memref<640xi32, #tpu.memory_space<vmem>> -> memref<16xi32, #tpu.memory_space<vmem>>
      %dma_wait3A_191 = arith.constant 0 : i32
      %dma_wait3A_192 = arith.constant 0 : i32
      %dma_wait3A_193 = tpu.memref_slice %arg2[%dma_wait3A_191, %dma_wait3A_192] : memref<80896x16xf32, #tpu.memory_space<hbm>> -> memref<80896x16xf32, #tpu.memory_space<hbm>>
      tpu.wait_indirect_dma semaphore(%arg11 : memref<!tpu.dma_semaphore, #tpu.memory_space<semaphore_mem>>) src(%dma_wait3A_193 : memref<80896x16xf32, #tpu.memory_space<hbm>>) dst(%dma_wait3A_188 : memref<16x16xf32, #tpu.memory_space<vmem>>)
      %add3A_194 = arith.constant 2 : i32
      %add3A_195 = arith.addi %mul3A_110, %add3A_194 : i32
      %add3A_196 = arith.addi %mul3A_2, %add3A_195 : i32
      %min3A_197 = arith.constant 4095 : i32
      %min3A_198 = arith.minsi %add3A_196, %min3A_197 : i32
      %dma_start3A_199 = arith.constant 0 : i32
      %dma_start3A_200 = tpu.memref_slice %arg3[%min3A_198, %dma_start3A_199] : memref<4096x640xi32, #tpu.memory_space<hbm>> -> memref<1x640xi32, #tpu.memory_space<hbm>>
      %dma_start3A_201 = tpu.memref_squeeze %dma_start3A_200 : memref<1x640xi32, #tpu.memory_space<hbm>> -> memref<640xi32, #tpu.memory_space<hbm>>
      %dma_start3A_202 = arith.constant 0 : i32
      %dma_start3A_203 = tpu.memref_slice %arg3[%min3A_198, %dma_start3A_202] : memref<4096x640xi32, #tpu.memory_space<hbm>> -> memref<1x640xi32, #tpu.memory_space<hbm>>
      %dma_start3A_204 = tpu.memref_squeeze %dma_start3A_203 : memref<1x640xi32, #tpu.memory_space<hbm>> -> memref<640xi32, #tpu.memory_space<hbm>>
      tpu.enqueue_dma source(%dma_start3A_204 : memref<640xi32, #tpu.memory_space<hbm>>) target(%arg5 : memref<640xi32, #tpu.memory_space<vmem>>) target_semaphore(%arg10 : memref<!tpu.dma_semaphore, #tpu.memory_space<semaphore_mem>>)
      %broadcast_in_dim3A_205 = arith.constant 0.000000e+00 : f32
      %broadcast_in_dim3A_206 = vector.broadcast %broadcast_in_dim3A_205 : f32 to vector<16xf32>
      %scan3A_207 = arith.constant 0 : i32
      %scan3A_208 = arith.constant 100 : i32
      %scan3A_209 = arith.addi %scan3A_207, %scan3A_208 : i32
      %scan3A_210 = arith.constant 1 : i32
      %scan3A_211:4 = scf.for %scan3A_332 = %scan3A_207 to %scan3A_209 step %scan3A_210 iter_args(%scan3A_333 = %broadcast_in_dim3A_206, %scan3A_334 = %broadcast_in_dim3A_206, %scan3A_335 = %broadcast_in_dim3A_206, %scan3A_336 = %broadcast_in_dim3A_206) -> (vector<16xf32>, vector<16xf32>, vector<16xf32>, vector<16xf32>)  : i32 {
        %mul3A_337 = arith.constant 4 : i32
        %mul3A_338 = arith.muli %mul3A_337, %scan3A_332 : i32
        %get3A = arith.index_cast %mul3A_338 : i32 to index
        %get3A_339 = arith.constant 0 : index
        %get3A_340 = tpu.vector_load %arg7[%get3A, %get3A_339] {strides = array<i32>} : memref<400x16xf32, #tpu.memory_space<vmem>>, vector<1x16xf32>,
        %get3A_341 = vector.shape_cast %get3A_340 : vector<1x16xf32> to vector<16xf32>
        %add3A_342 = arith.addf %scan3A_333, %get3A_341 : vector<16xf32>
        %mul3A_343 = arith.constant 4 : i32
        %mul3A_344 = arith.muli %mul3A_343, %scan3A_332 : i32
        %add3A_345 = arith.constant 1 : i32
        %add3A_346 = arith.addi %mul3A_344, %add3A_345 : i32
        %get3A_347 = arith.index_cast %add3A_346 : i32 to index
        %get3A_348 = arith.constant 0 : index
        %get3A_349 = tpu.vector_load %arg7[%get3A_347, %get3A_348] {strides = array<i32>} : memref<400x16xf32, #tpu.memory_space<vmem>>, vector<1x16xf32>,
        %get3A_350 = vector.shape_cast %get3A_349 : vector<1x16xf32> to vector<16xf32>
        %add3A_351 = arith.addf %scan3A_334, %get3A_350 : vector<16xf32>
        %mul3A_352 = arith.constant 4 : i32
        %mul3A_353 = arith.muli %mul3A_352, %scan3A_332 : i32
        %add3A_354 = arith.constant 2 : i32
        %add3A_355 = arith.addi %mul3A_353, %add3A_354 : i32
        %get3A_356 = arith.index_cast %add3A_355 : i32 to index
        %get3A_357 = arith.constant 0 : index
        %get3A_358 = tpu.vector_load %arg7[%get3A_356, %get3A_357] {strides = array<i32>} : memref<400x16xf32, #tpu.memory_space<vmem>>, vector<1x16xf32>,
        %get3A_359 = vector.shape_cast %get3A_358 : vector<1x16xf32> to vector<16xf32>
        %add3A_360 = arith.addf %scan3A_335, %get3A_359 : vector<16xf32>
        %mul3A_361 = arith.constant 4 : i32
        %mul3A_362 = arith.muli %mul3A_361, %scan3A_332 : i32
        %add3A_363 = arith.constant 3 : i32
        %add3A_364 = arith.addi %mul3A_362, %add3A_363 : i32
        %get3A_365 = arith.index_cast %add3A_364 : i32 to index
        %get3A_366 = arith.constant 0 : index
        %get3A_367 = tpu.vector_load %arg7[%get3A_365, %get3A_366] {strides = array<i32>} : memref<400x16xf32, #tpu.memory_space<vmem>>, vector<1x16xf32>,
        %get3A_368 = vector.shape_cast %get3A_367 : vector<1x16xf32> to vector<16xf32>
        %add3A_369 = arith.addf %scan3A_336, %get3A_368 : vector<16xf32>
        scf.yield %add3A_342, %add3A_351, %add3A_360, %add3A_369 : vector<16xf32>, vector<16xf32>, vector<16xf32>, vector<16xf32>
      }
      %scan3A_212 = arith.constant 100 : i32
      %add3A_213 = arith.addf %scan3A_211#0, %scan3A_211#1 : vector<16xf32>
      %add3A_214 = arith.addf %scan3A_211#2, %scan3A_211#3 : vector<16xf32>
      %add3A_215 = arith.addf %add3A_213, %add3A_214 : vector<16xf32>
      %swap3A = arith.index_cast %mul3A_110 : i32 to index
      %swap3A_216 = arith.constant 0 : index
      %swap3A_217 = tpu.vector_load %arg9[%swap3A, %swap3A_216] {strides = array<i32>} : memref<128x16xf32, #tpu.memory_space<vmem>>, vector<1x16xf32>,
      %swap3A_218 = vector.shape_cast %swap3A_217 : vector<1x16xf32> to vector<16xf32>
      %swap3A_219 = vector.shape_cast %add3A_215 : vector<16xf32> to vector<1x16xf32>
      tpu.vector_store %arg9[%swap3A, %swap3A_216], %swap3A_219 {strides = array<i32>} : memref<128x16xf32, #tpu.memory_space<vmem>>, vector<1x16xf32>,
      %add3A_220 = arith.constant 2 : i32
      %add3A_221 = arith.addi %mul3A_110, %add3A_220 : i32
      %add3A_222 = arith.addi %mul3A_2, %add3A_221 : i32
      %min3A_223 = arith.constant 4095 : i32
      %min3A_224 = arith.minsi %add3A_222, %min3A_223 : i32
      %dma_wait3A_225 = arith.constant 0 : i32
      %dma_wait3A_226 = tpu.memref_slice %arg3[%min3A_224, %dma_wait3A_225] : memref<4096x640xi32, #tpu.memory_space<hbm>> -> memref<1x640xi32, #tpu.memory_space<hbm>>
      %dma_wait3A_227 = tpu.memref_squeeze %dma_wait3A_226 : memref<1x640xi32, #tpu.memory_space<hbm>> -> memref<640xi32, #tpu.memory_space<hbm>>
      %dma_wait3A_228 = arith.constant 0 : i32
      %dma_wait3A_229 = tpu.memref_slice %arg3[%min3A_224, %dma_wait3A_228] : memref<4096x640xi32, #tpu.memory_space<hbm>> -> memref<1x640xi32, #tpu.memory_space<hbm>>
      %dma_wait3A_230 = tpu.memref_squeeze %dma_wait3A_229 : memref<1x640xi32, #tpu.memory_space<hbm>> -> memref<640xi32, #tpu.memory_space<hbm>>
      tpu.wait_dma2 semaphore(%arg10 : memref<!tpu.dma_semaphore, #tpu.memory_space<semaphore_mem>>) src(%dma_wait3A_230 : memref<640xi32, #tpu.memory_space<hbm>>) dst(%arg5 : memref<640xi32, #tpu.memory_space<vmem>>)
      %broadcast_in_dim3A_231 = vector.broadcast %mul3A_13 : i32 to vector<16xi32>
      %scan3A_232 = arith.constant 0 : i32
      %scan3A_233 = arith.constant 25 : i32
      %scan3A_234 = arith.addi %scan3A_232, %scan3A_233 : i32
      %scan3A_235 = arith.constant 1 : i32
      scf.for %scan3A_332 = %scan3A_232 to %scan3A_234 step %scan3A_235  : i32 {
        %mul3A_333 = arith.constant 1 : i32
        %mul3A_334 = arith.muli %scan3A_332, %mul3A_333 : i32
        %add3A_335 = arith.constant 0 : i32
        %add3A_336 = arith.addi %add3A_335, %mul3A_334 : i32
        %mul3A_337 = arith.constant 16 : i32
        %mul3A_338 = arith.muli %mul3A_337, %add3A_336 : i32
        %get3A = arith.index_cast %mul3A_338 : i32 to index
        %get3A_339 = tpu.vector_load %arg5[%get3A] {strides = array<i32>} : memref<640xi32, #tpu.memory_space<vmem>>, vector<16xi32>,
        %get3A_340 = vector.shape_cast %get3A_339 : vector<16xi32> to vector<16xi32>
        %add3A_341 = arith.addi %get3A_340, %broadcast_in_dim3A_231 : vector<16xi32>
        %mul3A_342 = arith.constant 16 : i32
        %mul3A_343 = arith.muli %mul3A_342, %add3A_336 : i32
        %swap3A_344 = arith.index_cast %mul3A_343 : i32 to index
        %swap3A_345 = tpu.vector_load %arg5[%swap3A_344] {strides = array<i32>} : memref<640xi32, #tpu.memory_space<vmem>>, vector<16xi32>,
        %swap3A_346 = vector.shape_cast %swap3A_345 : vector<16xi32> to vector<16xi32>
        %swap3A_347 = vector.shape_cast %add3A_341 : vector<16xi32> to vector<16xi32>
        tpu.vector_store %arg5[%swap3A_344], %swap3A_347 {strides = array<i32>} : memref<640xi32, #tpu.memory_space<vmem>>, vector<16xi32>,
      }
      %scan3A_236 = arith.constant 25 : i32
      %add3A_237 = arith.constant 2 : i32
      %add3A_238 = arith.addi %mul3A_110, %add3A_237 : i32
      %dma_start3A_239 = arith.constant 0 : i32
      %dma_start3A_240 = arith.constant 0 : i32
      %dma_start3A_241 = tpu.memref_slice %arg7[%dma_start3A_239, %dma_start3A_240] : memref<400x16xf32, #tpu.memory_space<vmem>> -> memref<128x16xf32, #tpu.memory_space<vmem>>
      %dma_start3A_242 = arith.constant 0 : i32
      %dma_start3A_243 = tpu.memref_slice %arg5[%dma_start3A_242] : memref<640xi32, #tpu.memory_space<vmem>> -> memref<128xi32, #tpu.memory_space<vmem>>
      %dma_start3A_244 = arith.constant 0 : i32
      %dma_start3A_245 = arith.constant 0 : i32
      %dma_start3A_246 = tpu.memref_slice %arg2[%dma_start3A_244, %dma_start3A_245] : memref<80896x16xf32, #tpu.memory_space<hbm>> -> memref<80896x16xf32, #tpu.memory_space<hbm>>
      tpu.enqueue_indirect_dma source(%dma_start3A_246 : memref<80896x16xf32, #tpu.memory_space<hbm>>) target(%dma_start3A_241 : memref<128x16xf32, #tpu.memory_space<vmem>>) offsets(%dma_start3A_243 : memref<128xi32, #tpu.memory_space<vmem>>) semaphore(%arg11 : memref<!tpu.dma_semaphore, #tpu.memory_space<semaphore_mem>>)
      %dma_start3A_247 = arith.constant 128 : i32
      %dma_start3A_248 = arith.constant 0 : i32
      %dma_start3A_249 = tpu.memref_slice %arg7[%dma_start3A_247, %dma_start3A_248] : memref<400x16xf32, #tpu.memory_space<vmem>> -> memref<128x16xf32, #tpu.memory_space<vmem>>
      %dma_start3A_250 = arith.constant 128 : i32
      %dma_start3A_251 = tpu.memref_slice %arg5[%dma_start3A_250] : memref<640xi32, #tpu.memory_space<vmem>> -> memref<128xi32, #tpu.memory_space<vmem>>
      %dma_start3A_252 = arith.constant 0 : i32
      %dma_start3A_253 = arith.constant 0 : i32
      %dma_start3A_254 = tpu.memref_slice %arg2[%dma_start3A_252, %dma_start3A_253] : memref<80896x16xf32, #tpu.memory_space<hbm>> -> memref<80896x16xf32, #tpu.memory_space<hbm>>
      tpu.enqueue_indirect_dma source(%dma_start3A_254 : memref<80896x16xf32, #tpu.memory_space<hbm>>) target(%dma_start3A_249 : memref<128x16xf32, #tpu.memory_space<vmem>>) offsets(%dma_start3A_251 : memref<128xi32, #tpu.memory_space<vmem>>) semaphore(%arg11 : memref<!tpu.dma_semaphore, #tpu.memory_space<semaphore_mem>>)
      %dma_start3A_255 = arith.constant 256 : i32
      %dma_start3A_256 = arith.constant 0 : i32
      %dma_start3A_257 = tpu.memref_slice %arg7[%dma_start3A_255, %dma_start3A_256] : memref<400x16xf32, #tpu.memory_space<vmem>> -> memref<128x16xf32, #tpu.memory_space<vmem>>
      %dma_start3A_258 = arith.constant 256 : i32
      %dma_start3A_259 = tpu.memref_slice %arg5[%dma_start3A_258] : memref<640xi32, #tpu.memory_space<vmem>> -> memref<128xi32, #tpu.memory_space<vmem>>
      %dma_start3A_260 = arith.constant 0 : i32
      %dma_start3A_261 = arith.constant 0 : i32
      %dma_start3A_262 = tpu.memref_slice %arg2[%dma_start3A_260, %dma_start3A_261] : memref<80896x16xf32, #tpu.memory_space<hbm>> -> memref<80896x16xf32, #tpu.memory_space<hbm>>
      tpu.enqueue_indirect_dma source(%dma_start3A_262 : memref<80896x16xf32, #tpu.memory_space<hbm>>) target(%dma_start3A_257 : memref<128x16xf32, #tpu.memory_space<vmem>>) offsets(%dma_start3A_259 : memref<128xi32, #tpu.memory_space<vmem>>) semaphore(%arg11 : memref<!tpu.dma_semaphore, #tpu.memory_space<semaphore_mem>>)
      %dma_start3A_263 = arith.constant 384 : i32
      %dma_start3A_264 = arith.constant 0 : i32
      %dma_start3A_265 = tpu.memref_slice %arg7[%dma_start3A_263, %dma_start3A_264] : memref<400x16xf32, #tpu.memory_space<vmem>> -> memref<16x16xf32, #tpu.memory_space<vmem>>
      %dma_start3A_266 = arith.constant 384 : i32
      %dma_start3A_267 = tpu.memref_slice %arg5[%dma_start3A_266] : memref<640xi32, #tpu.memory_space<vmem>> -> memref<16xi32, #tpu.memory_space<vmem>>
      %dma_start3A_268 = arith.constant 0 : i32
      %dma_start3A_269 = arith.constant 0 : i32
      %dma_start3A_270 = tpu.memref_slice %arg2[%dma_start3A_268, %dma_start3A_269] : memref<80896x16xf32, #tpu.memory_space<hbm>> -> memref<80896x16xf32, #tpu.memory_space<hbm>>
      tpu.enqueue_indirect_dma source(%dma_start3A_270 : memref<80896x16xf32, #tpu.memory_space<hbm>>) target(%dma_start3A_265 : memref<16x16xf32, #tpu.memory_space<vmem>>) offsets(%dma_start3A_267 : memref<16xi32, #tpu.memory_space<vmem>>) semaphore(%arg11 : memref<!tpu.dma_semaphore, #tpu.memory_space<semaphore_mem>>)
      %dma_wait3A_271 = arith.constant 0 : i32
      %dma_wait3A_272 = arith.constant 0 : i32
      %dma_wait3A_273 = tpu.memref_slice %arg8[%dma_wait3A_271, %dma_wait3A_272] : memref<400x16xf32, #tpu.memory_space<vmem>> -> memref<128x16xf32, #tpu.memory_space<vmem>>
      %dma_wait3A_274 = arith.constant 0 : i32
      %dma_wait3A_275 = tpu.memref_slice %arg6[%dma_wait3A_274] : memref<640xi32, #tpu.memory_space<vmem>> -> memref<128xi32, #tpu.memory_space<vmem>>
      %dma_wait3A_276 = arith.constant 0 : i32
      %dma_wait3A_277 = arith.constant 0 : i32
      %dma_wait3A_278 = tpu.memref_slice %arg2[%dma_wait3A_276, %dma_wait3A_277] : memref<80896x16xf32, #tpu.memory_space<hbm>> -> memref<80896x16xf32, #tpu.memory_space<hbm>>
      tpu.wait_indirect_dma semaphore(%arg12 : memref<!tpu.dma_semaphore, #tpu.memory_space<semaphore_mem>>) src(%dma_wait3A_278 : memref<80896x16xf32, #tpu.memory_space<hbm>>) dst(%dma_wait3A_273 : memref<128x16xf32, #tpu.memory_space<vmem>>)
      %dma_wait3A_279 = arith.constant 128 : i32
      %dma_wait3A_280 = arith.constant 0 : i32
      %dma_wait3A_281 = tpu.memref_slice %arg8[%dma_wait3A_279, %dma_wait3A_280] : memref<400x16xf32, #tpu.memory_space<vmem>> -> memref<128x16xf32, #tpu.memory_space<vmem>>
      %dma_wait3A_282 = arith.constant 128 : i32
      %dma_wait3A_283 = tpu.memref_slice %arg6[%dma_wait3A_282] : memref<640xi32, #tpu.memory_space<vmem>> -> memref<128xi32, #tpu.memory_space<vmem>>
      %dma_wait3A_284 = arith.constant 0 : i32
      %dma_wait3A_285 = arith.constant 0 : i32
      %dma_wait3A_286 = tpu.memref_slice %arg2[%dma_wait3A_284, %dma_wait3A_285] : memref<80896x16xf32, #tpu.memory_space<hbm>> -> memref<80896x16xf32, #tpu.memory_space<hbm>>
      tpu.wait_indirect_dma semaphore(%arg12 : memref<!tpu.dma_semaphore, #tpu.memory_space<semaphore_mem>>) src(%dma_wait3A_286 : memref<80896x16xf32, #tpu.memory_space<hbm>>) dst(%dma_wait3A_281 : memref<128x16xf32, #tpu.memory_space<vmem>>)
      %dma_wait3A_287 = arith.constant 256 : i32
      %dma_wait3A_288 = arith.constant 0 : i32
      %dma_wait3A_289 = tpu.memref_slice %arg8[%dma_wait3A_287, %dma_wait3A_288] : memref<400x16xf32, #tpu.memory_space<vmem>> -> memref<128x16xf32, #tpu.memory_space<vmem>>
      %dma_wait3A_290 = arith.constant 256 : i32
      %dma_wait3A_291 = tpu.memref_slice %arg6[%dma_wait3A_290] : memref<640xi32, #tpu.memory_space<vmem>> -> memref<128xi32, #tpu.memory_space<vmem>>
      %dma_wait3A_292 = arith.constant 0 : i32
      %dma_wait3A_293 = arith.constant 0 : i32
      %dma_wait3A_294 = tpu.memref_slice %arg2[%dma_wait3A_292, %dma_wait3A_293] : memref<80896x16xf32, #tpu.memory_space<hbm>> -> memref<80896x16xf32, #tpu.memory_space<hbm>>
      tpu.wait_indirect_dma semaphore(%arg12 : memref<!tpu.dma_semaphore, #tpu.memory_space<semaphore_mem>>) src(%dma_wait3A_294 : memref<80896x16xf32, #tpu.memory_space<hbm>>) dst(%dma_wait3A_289 : memref<128x16xf32, #tpu.memory_space<vmem>>)
      %dma_wait3A_295 = arith.constant 384 : i32
      %dma_wait3A_296 = arith.constant 0 : i32
      %dma_wait3A_297 = tpu.memref_slice %arg8[%dma_wait3A_295, %dma_wait3A_296] : memref<400x16xf32, #tpu.memory_space<vmem>> -> memref<16x16xf32, #tpu.memory_space<vmem>>
      %dma_wait3A_298 = arith.constant 384 : i32
      %dma_wait3A_299 = tpu.memref_slice %arg6[%dma_wait3A_298] : memref<640xi32, #tpu.memory_space<vmem>> -> memref<16xi32, #tpu.memory_space<vmem>>
      %dma_wait3A_300 = arith.constant 0 : i32
      %dma_wait3A_301 = arith.constant 0 : i32
      %dma_wait3A_302 = tpu.memref_slice %arg2[%dma_wait3A_300, %dma_wait3A_301] : memref<80896x16xf32, #tpu.memory_space<hbm>> -> memref<80896x16xf32, #tpu.memory_space<hbm>>
      tpu.wait_indirect_dma semaphore(%arg12 : memref<!tpu.dma_semaphore, #tpu.memory_space<semaphore_mem>>) src(%dma_wait3A_302 : memref<80896x16xf32, #tpu.memory_space<hbm>>) dst(%dma_wait3A_297 : memref<16x16xf32, #tpu.memory_space<vmem>>)
      %add3A_303 = arith.constant 3 : i32
      %add3A_304 = arith.addi %mul3A_110, %add3A_303 : i32
      %add3A_305 = arith.addi %mul3A_2, %add3A_304 : i32
      %min3A_306 = arith.constant 4095 : i32
      %min3A_307 = arith.minsi %add3A_305, %min3A_306 : i32
      %dma_start3A_308 = arith.constant 0 : i32
      %dma_start3A_309 = tpu.memref_slice %arg3[%min3A_307, %dma_start3A_308] : memref<4096x640xi32, #tpu.memory_space<hbm>> -> memref<1x640xi32, #tpu.memory_space<hbm>>
      %dma_start3A_310 = tpu.memref_squeeze %dma_start3A_309 : memref<1x640xi32, #tpu.memory_space<hbm>> -> memref<640xi32, #tpu.memory_space<hbm>>
      %dma_start3A_311 = arith.constant 0 : i32
      %dma_start3A_312 = tpu.memref_slice %arg3[%min3A_307, %dma_start3A_311] : memref<4096x640xi32, #tpu.memory_space<hbm>> -> memref<1x640xi32, #tpu.memory_space<hbm>>
      %dma_start3A_313 = tpu.memref_squeeze %dma_start3A_312 : memref<1x640xi32, #tpu.memory_space<hbm>> -> memref<640xi32, #tpu.memory_space<hbm>>
      tpu.enqueue_dma source(%dma_start3A_313 : memref<640xi32, #tpu.memory_space<hbm>>) target(%arg6 : memref<640xi32, #tpu.memory_space<vmem>>) target_semaphore(%arg10 : memref<!tpu.dma_semaphore, #tpu.memory_space<semaphore_mem>>)
      %add3A_314 = arith.constant 1 : i32
      %add3A_315 = arith.addi %mul3A_110, %add3A_314 : i32
      %broadcast_in_dim3A_316 = arith.constant 0.000000e+00 : f32
      %broadcast_in_dim3A_317 = vector.broadcast %broadcast_in_dim3A_316 : f32 to vector<16xf32>
      %scan3A_318 = arith.constant 0 : i32
      %scan3A_319 = arith.constant 100 : i32
      %scan3A_320 = arith.addi %scan3A_318, %scan3A_319 : i32
      %scan3A_321 = arith.constant 1 : i32
      %scan3A_322:4 = scf.for %scan3A_332 = %scan3A_318 to %scan3A_320 step %scan3A_321 iter_args(%scan3A_333 = %broadcast_in_dim3A_317, %scan3A_334 = %broadcast_in_dim3A_317, %scan3A_335 = %broadcast_in_dim3A_317, %scan3A_336 = %broadcast_in_dim3A_317) -> (vector<16xf32>, vector<16xf32>, vector<16xf32>, vector<16xf32>)  : i32 {
        %mul3A_337 = arith.constant 4 : i32
        %mul3A_338 = arith.muli %mul3A_337, %scan3A_332 : i32
        %get3A = arith.index_cast %mul3A_338 : i32 to index
        %get3A_339 = arith.constant 0 : index
        %get3A_340 = tpu.vector_load %arg8[%get3A, %get3A_339] {strides = array<i32>} : memref<400x16xf32, #tpu.memory_space<vmem>>, vector<1x16xf32>,
        %get3A_341 = vector.shape_cast %get3A_340 : vector<1x16xf32> to vector<16xf32>
        %add3A_342 = arith.addf %scan3A_333, %get3A_341 : vector<16xf32>
        %mul3A_343 = arith.constant 4 : i32
        %mul3A_344 = arith.muli %mul3A_343, %scan3A_332 : i32
        %add3A_345 = arith.constant 1 : i32
        %add3A_346 = arith.addi %mul3A_344, %add3A_345 : i32
        %get3A_347 = arith.index_cast %add3A_346 : i32 to index
        %get3A_348 = arith.constant 0 : index
        %get3A_349 = tpu.vector_load %arg8[%get3A_347, %get3A_348] {strides = array<i32>} : memref<400x16xf32, #tpu.memory_space<vmem>>, vector<1x16xf32>,
        %get3A_350 = vector.shape_cast %get3A_349 : vector<1x16xf32> to vector<16xf32>
        %add3A_351 = arith.addf %scan3A_334, %get3A_350 : vector<16xf32>
        %mul3A_352 = arith.constant 4 : i32
        %mul3A_353 = arith.muli %mul3A_352, %scan3A_332 : i32
        %add3A_354 = arith.constant 2 : i32
        %add3A_355 = arith.addi %mul3A_353, %add3A_354 : i32
        %get3A_356 = arith.index_cast %add3A_355 : i32 to index
        %get3A_357 = arith.constant 0 : index
        %get3A_358 = tpu.vector_load %arg8[%get3A_356, %get3A_357] {strides = array<i32>} : memref<400x16xf32, #tpu.memory_space<vmem>>, vector<1x16xf32>,
        %get3A_359 = vector.shape_cast %get3A_358 : vector<1x16xf32> to vector<16xf32>
        %add3A_360 = arith.addf %scan3A_335, %get3A_359 : vector<16xf32>
        %mul3A_361 = arith.constant 4 : i32
        %mul3A_362 = arith.muli %mul3A_361, %scan3A_332 : i32
        %add3A_363 = arith.constant 3 : i32
        %add3A_364 = arith.addi %mul3A_362, %add3A_363 : i32
        %get3A_365 = arith.index_cast %add3A_364 : i32 to index
        %get3A_366 = arith.constant 0 : index
        %get3A_367 = tpu.vector_load %arg8[%get3A_365, %get3A_366] {strides = array<i32>} : memref<400x16xf32, #tpu.memory_space<vmem>>, vector<1x16xf32>,
        %get3A_368 = vector.shape_cast %get3A_367 : vector<1x16xf32> to vector<16xf32>
        %add3A_369 = arith.addf %scan3A_336, %get3A_368 : vector<16xf32>
        scf.yield %add3A_342, %add3A_351, %add3A_360, %add3A_369 : vector<16xf32>, vector<16xf32>, vector<16xf32>, vector<16xf32>
      }
      %scan3A_323 = arith.constant 100 : i32
      %add3A_324 = arith.addf %scan3A_322#0, %scan3A_322#1 : vector<16xf32>
      %add3A_325 = arith.addf %scan3A_322#2, %scan3A_322#3 : vector<16xf32>
      %add3A_326 = arith.addf %add3A_324, %add3A_325 : vector<16xf32>
      %swap3A_327 = arith.index_cast %add3A_315 : i32 to index
      %swap3A_328 = arith.constant 0 : index
      %swap3A_329 = tpu.vector_load %arg9[%swap3A_327, %swap3A_328] {strides = array<i32>} : memref<128x16xf32, #tpu.memory_space<vmem>>, vector<1x16xf32>,
      %swap3A_330 = vector.shape_cast %swap3A_329 : vector<1x16xf32> to vector<16xf32>
      %swap3A_331 = vector.shape_cast %add3A_326 : vector<16xf32> to vector<1x16xf32>
      tpu.vector_store %arg9[%swap3A_327, %swap3A_328], %swap3A_331 {strides = array<i32>} : memref<128x16xf32, #tpu.memory_space<vmem>>, vector<1x16xf32>,
    }
    %scan3A_62 = arith.constant 64 : i32
    %dma_wait3A = arith.constant 0 : i32
    %dma_wait3A_63 = arith.constant 0 : i32
    %dma_wait3A_64 = tpu.memref_slice %arg7[%dma_wait3A, %dma_wait3A_63] : memref<400x16xf32, #tpu.memory_space<vmem>> -> memref<128x16xf32, #tpu.memory_space<vmem>>
    %dma_wait3A_65 = arith.constant 0 : i32
    %dma_wait3A_66 = tpu.memref_slice %arg5[%dma_wait3A_65] : memref<640xi32, #tpu.memory_space<vmem>> -> memref<128xi32, #tpu.memory_space<vmem>>
    %dma_wait3A_67 = arith.constant 0 : i32
    %dma_wait3A_68 = arith.constant 0 : i32
    %dma_wait3A_69 = tpu.memref_slice %arg2[%dma_wait3A_67, %dma_wait3A_68] : memref<80896x16xf32, #tpu.memory_space<hbm>> -> memref<80896x16xf32, #tpu.memory_space<hbm>>
    tpu.wait_indirect_dma semaphore(%arg11 : memref<!tpu.dma_semaphore, #tpu.memory_space<semaphore_mem>>) src(%dma_wait3A_69 : memref<80896x16xf32, #tpu.memory_space<hbm>>) dst(%dma_wait3A_64 : memref<128x16xf32, #tpu.memory_space<vmem>>)
    %dma_wait3A_70 = arith.constant 128 : i32
    %dma_wait3A_71 = arith.constant 0 : i32
    %dma_wait3A_72 = tpu.memref_slice %arg7[%dma_wait3A_70, %dma_wait3A_71] : memref<400x16xf32, #tpu.memory_space<vmem>> -> memref<128x16xf32, #tpu.memory_space<vmem>>
    %dma_wait3A_73 = arith.constant 128 : i32
    %dma_wait3A_74 = tpu.memref_slice %arg5[%dma_wait3A_73] : memref<640xi32, #tpu.memory_space<vmem>> -> memref<128xi32, #tpu.memory_space<vmem>>
    %dma_wait3A_75 = arith.constant 0 : i32
    %dma_wait3A_76 = arith.constant 0 : i32
    %dma_wait3A_77 = tpu.memref_slice %arg2[%dma_wait3A_75, %dma_wait3A_76] : memref<80896x16xf32, #tpu.memory_space<hbm>> -> memref<80896x16xf32, #tpu.memory_space<hbm>>
    tpu.wait_indirect_dma semaphore(%arg11 : memref<!tpu.dma_semaphore, #tpu.memory_space<semaphore_mem>>) src(%dma_wait3A_77 : memref<80896x16xf32, #tpu.memory_space<hbm>>) dst(%dma_wait3A_72 : memref<128x16xf32, #tpu.memory_space<vmem>>)
    %dma_wait3A_78 = arith.constant 256 : i32
    %dma_wait3A_79 = arith.constant 0 : i32
    %dma_wait3A_80 = tpu.memref_slice %arg7[%dma_wait3A_78, %dma_wait3A_79] : memref<400x16xf32, #tpu.memory_space<vmem>> -> memref<128x16xf32, #tpu.memory_space<vmem>>
    %dma_wait3A_81 = arith.constant 256 : i32
    %dma_wait3A_82 = tpu.memref_slice %arg5[%dma_wait3A_81] : memref<640xi32, #tpu.memory_space<vmem>> -> memref<128xi32, #tpu.memory_space<vmem>>
    %dma_wait3A_83 = arith.constant 0 : i32
    %dma_wait3A_84 = arith.constant 0 : i32
    %dma_wait3A_85 = tpu.memref_slice %arg2[%dma_wait3A_83, %dma_wait3A_84] : memref<80896x16xf32, #tpu.memory_space<hbm>> -> memref<80896x16xf32, #tpu.memory_space<hbm>>
    tpu.wait_indirect_dma semaphore(%arg11 : memref<!tpu.dma_semaphore, #tpu.memory_space<semaphore_mem>>) src(%dma_wait3A_85 : memref<80896x16xf32, #tpu.memory_space<hbm>>) dst(%dma_wait3A_80 : memref<128x16xf32, #tpu.memory_space<vmem>>)
    %dma_wait3A_86 = arith.constant 384 : i32
    %dma_wait3A_87 = arith.constant 0 : i32
    %dma_wait3A_88 = tpu.memref_slice %arg7[%dma_wait3A_86, %dma_wait3A_87] : memref<400x16xf32, #tpu.memory_space<vmem>> -> memref<16x16xf32, #tpu.memory_space<vmem>>
    %dma_wait3A_89 = arith.constant 384 : i32
    %dma_wait3A_90 = tpu.memref_slice %arg5[%dma_wait3A_89] : memref<640xi32, #tpu.memory_space<vmem>> -> memref<16xi32, #tpu.memory_space<vmem>>
    %dma_wait3A_91 = arith.constant 0 : i32
    %dma_wait3A_92 = arith.constant 0 : i32
    %dma_wait3A_93 = tpu.memref_slice %arg2[%dma_wait3A_91, %dma_wait3A_92] : memref<80896x16xf32, #tpu.memory_space<hbm>> -> memref<80896x16xf32, #tpu.memory_space<hbm>>
    tpu.wait_indirect_dma semaphore(%arg11 : memref<!tpu.dma_semaphore, #tpu.memory_space<semaphore_mem>>) src(%dma_wait3A_93 : memref<80896x16xf32, #tpu.memory_space<hbm>>) dst(%dma_wait3A_88 : memref<16x16xf32, #tpu.memory_space<vmem>>)
    %add3A_94 = arith.constant 0 : i32
    %add3A_95 = arith.addi %mul3A_2, %add3A_94 : i32
    %min3A_96 = arith.constant 4095 : i32
    %min3A_97 = arith.minsi %add3A_95, %min3A_96 : i32
    %dma_wait3A_98 = arith.constant 0 : i32
    %dma_wait3A_99 = tpu.memref_slice %arg3[%min3A_97, %dma_wait3A_98] : memref<4096x640xi32, #tpu.memory_space<hbm>> -> memref<1x640xi32, #tpu.memory_space<hbm>>
    %dma_wait3A_100 = tpu.memref_squeeze %dma_wait3A_99 : memref<1x640xi32, #tpu.memory_space<hbm>> -> memref<640xi32, #tpu.memory_space<hbm>>
    %dma_wait3A_101 = arith.constant 0 : i32
    %dma_wait3A_102 = tpu.memref_slice %arg3[%min3A_97, %dma_wait3A_101] : memref<4096x640xi32, #tpu.memory_space<hbm>> -> memref<1x640xi32, #tpu.memory_space<hbm>>
    %dma_wait3A_103 = tpu.memref_squeeze %dma_wait3A_102 : memref<1x640xi32, #tpu.memory_space<hbm>> -> memref<640xi32, #tpu.memory_space<hbm>>
    tpu.wait_dma2 semaphore(%arg10 : memref<!tpu.dma_semaphore, #tpu.memory_space<semaphore_mem>>) src(%dma_wait3A_103 : memref<640xi32, #tpu.memory_space<hbm>>) dst(%arg6 : memref<640xi32, #tpu.memory_space<vmem>>)
    "tpu.region"() ({
      %run_scoped3A = tpu.sem_alloc : memref<!tpu.dma_semaphore, #tpu.memory_space<semaphore_mem>>
      %dma_start3A_104 = arith.constant 0 : i32
      %dma_start3A_105 = tpu.memref_slice %arg4[%mul3A_2, %dma_start3A_104] : memref<4096x16xf32, #tpu.memory_space<hbm>> -> memref<128x16xf32, #tpu.memory_space<hbm>>
      %dma_start3A_106 = arith.constant 0 : i32
      %dma_start3A_107 = tpu.memref_slice %arg4[%mul3A_2, %dma_start3A_106] : memref<4096x16xf32, #tpu.memory_space<hbm>> -> memref<128x16xf32, #tpu.memory_space<hbm>>
      tpu.enqueue_dma source(%arg9 : memref<128x16xf32, #tpu.memory_space<vmem>>) target(%dma_start3A_107 : memref<128x16xf32, #tpu.memory_space<hbm>>) target_semaphore(%run_scoped3A : memref<!tpu.dma_semaphore, #tpu.memory_space<semaphore_mem>>)
      %dma_wait3A_108 = arith.constant 0 : i32
      %dma_wait3A_109 = tpu.memref_slice %arg4[%mul3A_2, %dma_wait3A_108] : memref<4096x16xf32, #tpu.memory_space<hbm>> -> memref<128x16xf32, #tpu.memory_space<hbm>>
      %dma_wait3A_110 = arith.constant 0 : i32
      %dma_wait3A_111 = tpu.memref_slice %arg4[%mul3A_2, %dma_wait3A_110] : memref<4096x16xf32, #tpu.memory_space<hbm>> -> memref<128x16xf32, #tpu.memory_space<hbm>>
      tpu.wait_dma2 semaphore(%run_scoped3A : memref<!tpu.dma_semaphore, #tpu.memory_space<semaphore_mem>>) src(%arg9 : memref<128x16xf32, #tpu.memory_space<vmem>>) dst(%dma_wait3A_111 : memref<128x16xf32, #tpu.memory_space<hbm>>)
      tpu.yield
    }) : () -> ()
    return
  }
}

#map = affine_map<(d0, d1) -> (0, 0)>
#map1 = affine_map<(d0, d1) -> (0)>
module attributes {stable_mosaic.version = 14 : i64} {
  func.func @_scb_body(%arg0: i32, %arg1: i32, %arg2: memref<1000000x16xf32, #tpu.memory_space<hbm>>, %arg3: memref<4096x640xi32, #tpu.memory_space<hbm>>, %arg4: memref<4096x16xf32, #tpu.memory_space<hbm>>, %arg5: memref<16xf32, #tpu.memory_space<hbm>>, %arg6: memref<4096x16xf32, #tpu.memory_space<hbm>>, %arg7: memref<640xi32, #tpu.memory_space<vmem>>, %arg8: memref<640xi32, #tpu.memory_space<vmem>>, %arg9: memref<200x16xf32, #tpu.memory_space<vmem>>, %arg10: memref<200x16xf32, #tpu.memory_space<vmem>>, %arg11: memref<128x16xf32, #tpu.memory_space<vmem>>, %arg12: memref<16xf32, #tpu.memory_space<vmem>>, %arg13: memref<!tpu.dma_semaphore, #tpu.memory_space<semaphore_mem>>, %arg14: memref<!tpu.dma_semaphore, #tpu.memory_space<semaphore_mem>>, %arg15: memref<!tpu.dma_semaphore, #tpu.memory_space<semaphore_mem>>) attributes {dimension_semantics = [#tpu.dimension_semantics<core_parallel>, #tpu.dimension_semantics<subcore_parallel>], iteration_bounds = array<i64: 2, 16>, scalar_prefetch = 0 : i64, scratch_operands = 9 : i64, tpu.core_type = #tpu.core_type<sc_vector_subcore>, window_params = [{transform_indices = #map}, {transform_indices = #map}, {transform_indices = #map}, {transform_indices = #map1}, {transform_indices = #map}]} {
    "tpu.region"() ({
      %run_scoped3A = tpu.sem_alloc : memref<!tpu.dma_semaphore, #tpu.memory_space<semaphore_mem>>
      tpu.enqueue_dma source(%arg5 : memref<16xf32, #tpu.memory_space<hbm>>) target(%arg12 : memref<16xf32, #tpu.memory_space<vmem>>) target_semaphore(%run_scoped3A : memref<!tpu.dma_semaphore, #tpu.memory_space<semaphore_mem>>)
      tpu.wait_dma2 semaphore(%run_scoped3A : memref<!tpu.dma_semaphore, #tpu.memory_space<semaphore_mem>>) src(%arg5 : memref<16xf32, #tpu.memory_space<hbm>>) dst(%arg12 : memref<16xf32, #tpu.memory_space<vmem>>)
      tpu.yield
    }) : () -> ()
    %broadcast_in_dim3A = arith.constant 0.000000e+00 : f32
    %broadcast_in_dim3A_0 = vector.broadcast %broadcast_in_dim3A : f32 to vector<16xf32>
    %swap3A = arith.constant 198 : i32
    %swap3A_1 = arith.index_cast %swap3A : i32 to index
    %swap3A_2 = arith.constant 0 : index
    %swap3A_3 = tpu.vector_load %arg9[%swap3A_1, %swap3A_2] {strides = array<i32>} : memref<200x16xf32, #tpu.memory_space<vmem>>, vector<1x16xf32>,
    %swap3A_4 = vector.shape_cast %swap3A_3 : vector<1x16xf32> to vector<16xf32>
    %swap3A_5 = vector.shape_cast %broadcast_in_dim3A_0 : vector<16xf32> to vector<1x16xf32>
    tpu.vector_store %arg9[%swap3A_1, %swap3A_2], %swap3A_5 {strides = array<i32>} : memref<200x16xf32, #tpu.memory_space<vmem>>, vector<1x16xf32>,
    %broadcast_in_dim3A_6 = arith.constant 0.000000e+00 : f32
    %broadcast_in_dim3A_7 = vector.broadcast %broadcast_in_dim3A_6 : f32 to vector<16xf32>
    %swap3A_8 = arith.constant 199 : i32
    %swap3A_9 = arith.index_cast %swap3A_8 : i32 to index
    %swap3A_10 = arith.constant 0 : index
    %swap3A_11 = tpu.vector_load %arg9[%swap3A_9, %swap3A_10] {strides = array<i32>} : memref<200x16xf32, #tpu.memory_space<vmem>>, vector<1x16xf32>,
    %swap3A_12 = vector.shape_cast %swap3A_11 : vector<1x16xf32> to vector<16xf32>
    %swap3A_13 = vector.shape_cast %broadcast_in_dim3A_7 : vector<16xf32> to vector<1x16xf32>
    tpu.vector_store %arg9[%swap3A_9, %swap3A_10], %swap3A_13 {strides = array<i32>} : memref<200x16xf32, #tpu.memory_space<vmem>>, vector<1x16xf32>,
    %broadcast_in_dim3A_14 = arith.constant 0.000000e+00 : f32
    %broadcast_in_dim3A_15 = vector.broadcast %broadcast_in_dim3A_14 : f32 to vector<16xf32>
    %swap3A_16 = arith.constant 198 : i32
    %swap3A_17 = arith.index_cast %swap3A_16 : i32 to index
    %swap3A_18 = arith.constant 0 : index
    %swap3A_19 = tpu.vector_load %arg10[%swap3A_17, %swap3A_18] {strides = array<i32>} : memref<200x16xf32, #tpu.memory_space<vmem>>, vector<1x16xf32>,
    %swap3A_20 = vector.shape_cast %swap3A_19 : vector<1x16xf32> to vector<16xf32>
    %swap3A_21 = vector.shape_cast %broadcast_in_dim3A_15 : vector<16xf32> to vector<1x16xf32>
    tpu.vector_store %arg10[%swap3A_17, %swap3A_18], %swap3A_21 {strides = array<i32>} : memref<200x16xf32, #tpu.memory_space<vmem>>, vector<1x16xf32>,
    %broadcast_in_dim3A_22 = arith.constant 0.000000e+00 : f32
    %broadcast_in_dim3A_23 = vector.broadcast %broadcast_in_dim3A_22 : f32 to vector<16xf32>
    %swap3A_24 = arith.constant 199 : i32
    %swap3A_25 = arith.index_cast %swap3A_24 : i32 to index
    %swap3A_26 = arith.constant 0 : index
    %swap3A_27 = tpu.vector_load %arg10[%swap3A_25, %swap3A_26] {strides = array<i32>} : memref<200x16xf32, #tpu.memory_space<vmem>>, vector<1x16xf32>,
    %swap3A_28 = vector.shape_cast %swap3A_27 : vector<1x16xf32> to vector<16xf32>
    %swap3A_29 = vector.shape_cast %broadcast_in_dim3A_23 : vector<16xf32> to vector<1x16xf32>
    tpu.vector_store %arg10[%swap3A_25, %swap3A_26], %swap3A_29 {strides = array<i32>} : memref<200x16xf32, #tpu.memory_space<vmem>>, vector<1x16xf32>,
    %mul3A = arith.constant 2 : i32
    %mul3A_30 = arith.muli %arg1, %mul3A : i32
    %add3A = arith.addi %mul3A_30, %arg0 : i32
    %mul3A_31 = arith.constant 128 : i32
    %mul3A_32 = arith.muli %add3A, %mul3A_31 : i32
    "tpu.region"() ({
      %run_scoped3A = tpu.sem_alloc : memref<!tpu.dma_semaphore, #tpu.memory_space<semaphore_mem>>
      %dma_start3A_86 = arith.constant 0 : i32
      %dma_start3A_87 = tpu.memref_slice %arg4[%mul3A_32, %dma_start3A_86] : memref<4096x16xf32, #tpu.memory_space<hbm>> -> memref<128x16xf32, #tpu.memory_space<hbm>>
      %dma_start3A_88 = arith.constant 0 : i32
      %dma_start3A_89 = tpu.memref_slice %arg4[%mul3A_32, %dma_start3A_88] : memref<4096x16xf32, #tpu.memory_space<hbm>> -> memref<128x16xf32, #tpu.memory_space<hbm>>
      tpu.enqueue_dma source(%dma_start3A_89 : memref<128x16xf32, #tpu.memory_space<hbm>>) target(%arg11 : memref<128x16xf32, #tpu.memory_space<vmem>>) target_semaphore(%run_scoped3A : memref<!tpu.dma_semaphore, #tpu.memory_space<semaphore_mem>>)
      %dma_wait3A_90 = arith.constant 0 : i32
      %dma_wait3A_91 = tpu.memref_slice %arg4[%mul3A_32, %dma_wait3A_90] : memref<4096x16xf32, #tpu.memory_space<hbm>> -> memref<128x16xf32, #tpu.memory_space<hbm>>
      %dma_wait3A_92 = arith.constant 0 : i32
      %dma_wait3A_93 = tpu.memref_slice %arg4[%mul3A_32, %dma_wait3A_92] : memref<4096x16xf32, #tpu.memory_space<hbm>> -> memref<128x16xf32, #tpu.memory_space<hbm>>
      tpu.wait_dma2 semaphore(%run_scoped3A : memref<!tpu.dma_semaphore, #tpu.memory_space<semaphore_mem>>) src(%dma_wait3A_93 : memref<128x16xf32, #tpu.memory_space<hbm>>) dst(%arg11 : memref<128x16xf32, #tpu.memory_space<vmem>>)
      tpu.yield
    }) : () -> ()
    "tpu.region"() ({
      %run_scoped3A = tpu.sem_alloc : memref<!tpu.dma_semaphore, #tpu.memory_space<semaphore_mem>>
      %dma_start3A_86 = arith.constant 0 : i32
      %dma_start3A_87 = tpu.memref_slice %arg3[%mul3A_32, %dma_start3A_86] : memref<4096x640xi32, #tpu.memory_space<hbm>> -> memref<1x640xi32, #tpu.memory_space<hbm>>
      %dma_start3A_88 = tpu.memref_squeeze %dma_start3A_87 : memref<1x640xi32, #tpu.memory_space<hbm>> -> memref<640xi32, #tpu.memory_space<hbm>>
      %dma_start3A_89 = arith.constant 0 : i32
      %dma_start3A_90 = tpu.memref_slice %arg3[%mul3A_32, %dma_start3A_89] : memref<4096x640xi32, #tpu.memory_space<hbm>> -> memref<1x640xi32, #tpu.memory_space<hbm>>
      %dma_start3A_91 = tpu.memref_squeeze %dma_start3A_90 : memref<1x640xi32, #tpu.memory_space<hbm>> -> memref<640xi32, #tpu.memory_space<hbm>>
      tpu.enqueue_dma source(%dma_start3A_91 : memref<640xi32, #tpu.memory_space<hbm>>) target(%arg7 : memref<640xi32, #tpu.memory_space<vmem>>) target_semaphore(%run_scoped3A : memref<!tpu.dma_semaphore, #tpu.memory_space<semaphore_mem>>)
      %dma_wait3A_92 = arith.constant 0 : i32
      %dma_wait3A_93 = tpu.memref_slice %arg3[%mul3A_32, %dma_wait3A_92] : memref<4096x640xi32, #tpu.memory_space<hbm>> -> memref<1x640xi32, #tpu.memory_space<hbm>>
      %dma_wait3A_94 = tpu.memref_squeeze %dma_wait3A_93 : memref<1x640xi32, #tpu.memory_space<hbm>> -> memref<640xi32, #tpu.memory_space<hbm>>
      %dma_wait3A_95 = arith.constant 0 : i32
      %dma_wait3A_96 = tpu.memref_slice %arg3[%mul3A_32, %dma_wait3A_95] : memref<4096x640xi32, #tpu.memory_space<hbm>> -> memref<1x640xi32, #tpu.memory_space<hbm>>
      %dma_wait3A_97 = tpu.memref_squeeze %dma_wait3A_96 : memref<1x640xi32, #tpu.memory_space<hbm>> -> memref<640xi32, #tpu.memory_space<hbm>>
      tpu.wait_dma2 semaphore(%run_scoped3A : memref<!tpu.dma_semaphore, #tpu.memory_space<semaphore_mem>>) src(%dma_wait3A_97 : memref<640xi32, #tpu.memory_space<hbm>>) dst(%arg7 : memref<640xi32, #tpu.memory_space<vmem>>)
      tpu.yield
    }) : () -> ()
    %dma_start3A = arith.constant 0 : i32
    %dma_start3A_33 = arith.constant 0 : i32
    %dma_start3A_34 = tpu.memref_slice %arg9[%dma_start3A, %dma_start3A_33] : memref<200x16xf32, #tpu.memory_space<vmem>> -> memref<104x16xf32, #tpu.memory_space<vmem>>
    %dma_start3A_35 = arith.constant 400 : i32
    %dma_start3A_36 = tpu.memref_slice %arg7[%dma_start3A_35] : memref<640xi32, #tpu.memory_space<vmem>> -> memref<104xi32, #tpu.memory_space<vmem>>
    %dma_start3A_37 = arith.constant 0 : i32
    %dma_start3A_38 = arith.constant 0 : i32
    %dma_start3A_39 = tpu.memref_slice %arg2[%dma_start3A_37, %dma_start3A_38] : memref<1000000x16xf32, #tpu.memory_space<hbm>> -> memref<1000000x16xf32, #tpu.memory_space<hbm>>
    tpu.enqueue_indirect_dma source(%dma_start3A_39 : memref<1000000x16xf32, #tpu.memory_space<hbm>>) target(%dma_start3A_34 : memref<104x16xf32, #tpu.memory_space<vmem>>) offsets(%dma_start3A_36 : memref<104xi32, #tpu.memory_space<vmem>>) semaphore(%arg14 : memref<!tpu.dma_semaphore, #tpu.memory_space<semaphore_mem>>)
    %dma_start3A_40 = arith.constant 104 : i32
    %dma_start3A_41 = arith.constant 0 : i32
    %dma_start3A_42 = tpu.memref_slice %arg9[%dma_start3A_40, %dma_start3A_41] : memref<200x16xf32, #tpu.memory_space<vmem>> -> memref<94x16xf32, #tpu.memory_space<vmem>>
    %dma_start3A_43 = arith.constant 504 : i32
    %dma_start3A_44 = tpu.memref_slice %arg7[%dma_start3A_43] : memref<640xi32, #tpu.memory_space<vmem>> -> memref<94xi32, #tpu.memory_space<vmem>>
    %dma_start3A_45 = arith.constant 0 : i32
    %dma_start3A_46 = arith.constant 0 : i32
    %dma_start3A_47 = tpu.memref_slice %arg2[%dma_start3A_45, %dma_start3A_46] : memref<1000000x16xf32, #tpu.memory_space<hbm>> -> memref<1000000x16xf32, #tpu.memory_space<hbm>>
    tpu.enqueue_indirect_dma source(%dma_start3A_47 : memref<1000000x16xf32, #tpu.memory_space<hbm>>) target(%dma_start3A_42 : memref<94x16xf32, #tpu.memory_space<vmem>>) offsets(%dma_start3A_44 : memref<94xi32, #tpu.memory_space<vmem>>) semaphore(%arg14 : memref<!tpu.dma_semaphore, #tpu.memory_space<semaphore_mem>>)
    %add3A_48 = arith.constant 1 : i32
    %add3A_49 = arith.addi %mul3A_32, %add3A_48 : i32
    %min3A = arith.constant 4095 : i32
    %min3A_50 = arith.minsi %add3A_49, %min3A : i32
    %dma_start3A_51 = arith.constant 0 : i32
    %dma_start3A_52 = tpu.memref_slice %arg3[%min3A_50, %dma_start3A_51] : memref<4096x640xi32, #tpu.memory_space<hbm>> -> memref<1x640xi32, #tpu.memory_space<hbm>>
    %dma_start3A_53 = tpu.memref_squeeze %dma_start3A_52 : memref<1x640xi32, #tpu.memory_space<hbm>> -> memref<640xi32, #tpu.memory_space<hbm>>
    %dma_start3A_54 = arith.constant 0 : i32
    %dma_start3A_55 = tpu.memref_slice %arg3[%min3A_50, %dma_start3A_54] : memref<4096x640xi32, #tpu.memory_space<hbm>> -> memref<1x640xi32, #tpu.memory_space<hbm>>
    %dma_start3A_56 = tpu.memref_squeeze %dma_start3A_55 : memref<1x640xi32, #tpu.memory_space<hbm>> -> memref<640xi32, #tpu.memory_space<hbm>>
    tpu.enqueue_dma source(%dma_start3A_56 : memref<640xi32, #tpu.memory_space<hbm>>) target(%arg8 : memref<640xi32, #tpu.memory_space<vmem>>) target_semaphore(%arg13 : memref<!tpu.dma_semaphore, #tpu.memory_space<semaphore_mem>>)
    %scan3A = arith.constant 0 : i32
    %scan3A_57 = arith.constant 64 : i32
    %scan3A_58 = arith.addi %scan3A, %scan3A_57 : i32
    %scan3A_59 = arith.constant 1 : i32
    scf.for %scan3A_86 = %scan3A to %scan3A_58 step %scan3A_59  : i32 {
      %mul3A_87 = arith.constant 1 : i32
      %mul3A_88 = arith.muli %scan3A_86, %mul3A_87 : i32
      %add3A_89 = arith.constant 0 : i32
      %add3A_90 = arith.addi %add3A_89, %mul3A_88 : i32
      %mul3A_91 = arith.constant 2 : i32
      %mul3A_92 = arith.muli %mul3A_91, %add3A_90 : i32
      %add3A_93 = arith.constant 1 : i32
      %add3A_94 = arith.addi %mul3A_92, %add3A_93 : i32
      %add3A_95 = arith.addi %mul3A_32, %add3A_94 : i32
      %min3A_96 = arith.constant 4095 : i32
      %min3A_97 = arith.minsi %add3A_95, %min3A_96 : i32
      %dma_wait3A_98 = arith.constant 0 : i32
      %dma_wait3A_99 = tpu.memref_slice %arg3[%min3A_97, %dma_wait3A_98] : memref<4096x640xi32, #tpu.memory_space<hbm>> -> memref<1x640xi32, #tpu.memory_space<hbm>>
      %dma_wait3A_100 = tpu.memref_squeeze %dma_wait3A_99 : memref<1x640xi32, #tpu.memory_space<hbm>> -> memref<640xi32, #tpu.memory_space<hbm>>
      %dma_wait3A_101 = arith.constant 0 : i32
      %dma_wait3A_102 = tpu.memref_slice %arg3[%min3A_97, %dma_wait3A_101] : memref<4096x640xi32, #tpu.memory_space<hbm>> -> memref<1x640xi32, #tpu.memory_space<hbm>>
      %dma_wait3A_103 = tpu.memref_squeeze %dma_wait3A_102 : memref<1x640xi32, #tpu.memory_space<hbm>> -> memref<640xi32, #tpu.memory_space<hbm>>
      tpu.wait_dma2 semaphore(%arg13 : memref<!tpu.dma_semaphore, #tpu.memory_space<semaphore_mem>>) src(%dma_wait3A_103 : memref<640xi32, #tpu.memory_space<hbm>>) dst(%arg8 : memref<640xi32, #tpu.memory_space<vmem>>)
      %dma_start3A_104 = arith.constant 0 : i32
      %dma_start3A_105 = arith.constant 0 : i32
      %dma_start3A_106 = tpu.memref_slice %arg10[%dma_start3A_104, %dma_start3A_105] : memref<200x16xf32, #tpu.memory_space<vmem>> -> memref<104x16xf32, #tpu.memory_space<vmem>>
      %dma_start3A_107 = arith.constant 400 : i32
      %dma_start3A_108 = tpu.memref_slice %arg8[%dma_start3A_107] : memref<640xi32, #tpu.memory_space<vmem>> -> memref<104xi32, #tpu.memory_space<vmem>>
      %dma_start3A_109 = arith.constant 0 : i32
      %dma_start3A_110 = arith.constant 0 : i32
      %dma_start3A_111 = tpu.memref_slice %arg2[%dma_start3A_109, %dma_start3A_110] : memref<1000000x16xf32, #tpu.memory_space<hbm>> -> memref<1000000x16xf32, #tpu.memory_space<hbm>>
      tpu.enqueue_indirect_dma source(%dma_start3A_111 : memref<1000000x16xf32, #tpu.memory_space<hbm>>) target(%dma_start3A_106 : memref<104x16xf32, #tpu.memory_space<vmem>>) offsets(%dma_start3A_108 : memref<104xi32, #tpu.memory_space<vmem>>) semaphore(%arg15 : memref<!tpu.dma_semaphore, #tpu.memory_space<semaphore_mem>>)
      %dma_start3A_112 = arith.constant 104 : i32
      %dma_start3A_113 = arith.constant 0 : i32
      %dma_start3A_114 = tpu.memref_slice %arg10[%dma_start3A_112, %dma_start3A_113] : memref<200x16xf32, #tpu.memory_space<vmem>> -> memref<94x16xf32, #tpu.memory_space<vmem>>
      %dma_start3A_115 = arith.constant 504 : i32
      %dma_start3A_116 = tpu.memref_slice %arg8[%dma_start3A_115] : memref<640xi32, #tpu.memory_space<vmem>> -> memref<94xi32, #tpu.memory_space<vmem>>
      %dma_start3A_117 = arith.constant 0 : i32
      %dma_start3A_118 = arith.constant 0 : i32
      %dma_start3A_119 = tpu.memref_slice %arg2[%dma_start3A_117, %dma_start3A_118] : memref<1000000x16xf32, #tpu.memory_space<hbm>> -> memref<1000000x16xf32, #tpu.memory_space<hbm>>
      tpu.enqueue_indirect_dma source(%dma_start3A_119 : memref<1000000x16xf32, #tpu.memory_space<hbm>>) target(%dma_start3A_114 : memref<94x16xf32, #tpu.memory_space<vmem>>) offsets(%dma_start3A_116 : memref<94xi32, #tpu.memory_space<vmem>>) semaphore(%arg15 : memref<!tpu.dma_semaphore, #tpu.memory_space<semaphore_mem>>)
      %dma_wait3A_120 = arith.constant 0 : i32
      %dma_wait3A_121 = arith.constant 0 : i32
      %dma_wait3A_122 = tpu.memref_slice %arg9[%dma_wait3A_120, %dma_wait3A_121] : memref<200x16xf32, #tpu.memory_space<vmem>> -> memref<104x16xf32, #tpu.memory_space<vmem>>
      %dma_wait3A_123 = arith.constant 400 : i32
      %dma_wait3A_124 = tpu.memref_slice %arg7[%dma_wait3A_123] : memref<640xi32, #tpu.memory_space<vmem>> -> memref<104xi32, #tpu.memory_space<vmem>>
      %dma_wait3A_125 = arith.constant 0 : i32
      %dma_wait3A_126 = arith.constant 0 : i32
      %dma_wait3A_127 = tpu.memref_slice %arg2[%dma_wait3A_125, %dma_wait3A_126] : memref<1000000x16xf32, #tpu.memory_space<hbm>> -> memref<1000000x16xf32, #tpu.memory_space<hbm>>
      tpu.wait_indirect_dma semaphore(%arg14 : memref<!tpu.dma_semaphore, #tpu.memory_space<semaphore_mem>>) src(%dma_wait3A_127 : memref<1000000x16xf32, #tpu.memory_space<hbm>>) dst(%dma_wait3A_122 : memref<104x16xf32, #tpu.memory_space<vmem>>)
      %dma_wait3A_128 = arith.constant 104 : i32
      %dma_wait3A_129 = arith.constant 0 : i32
      %dma_wait3A_130 = tpu.memref_slice %arg9[%dma_wait3A_128, %dma_wait3A_129] : memref<200x16xf32, #tpu.memory_space<vmem>> -> memref<94x16xf32, #tpu.memory_space<vmem>>
      %dma_wait3A_131 = arith.constant 504 : i32
      %dma_wait3A_132 = tpu.memref_slice %arg7[%dma_wait3A_131] : memref<640xi32, #tpu.memory_space<vmem>> -> memref<94xi32, #tpu.memory_space<vmem>>
      %dma_wait3A_133 = arith.constant 0 : i32
      %dma_wait3A_134 = arith.constant 0 : i32
      %dma_wait3A_135 = tpu.memref_slice %arg2[%dma_wait3A_133, %dma_wait3A_134] : memref<1000000x16xf32, #tpu.memory_space<hbm>> -> memref<1000000x16xf32, #tpu.memory_space<hbm>>
      tpu.wait_indirect_dma semaphore(%arg14 : memref<!tpu.dma_semaphore, #tpu.memory_space<semaphore_mem>>) src(%dma_wait3A_135 : memref<1000000x16xf32, #tpu.memory_space<hbm>>) dst(%dma_wait3A_130 : memref<94x16xf32, #tpu.memory_space<vmem>>)
      %add3A_136 = arith.constant 2 : i32
      %add3A_137 = arith.addi %mul3A_92, %add3A_136 : i32
      %add3A_138 = arith.addi %mul3A_32, %add3A_137 : i32
      %min3A_139 = arith.constant 4095 : i32
      %min3A_140 = arith.minsi %add3A_138, %min3A_139 : i32
      %dma_start3A_141 = arith.constant 0 : i32
      %dma_start3A_142 = tpu.memref_slice %arg3[%min3A_140, %dma_start3A_141] : memref<4096x640xi32, #tpu.memory_space<hbm>> -> memref<1x640xi32, #tpu.memory_space<hbm>>
      %dma_start3A_143 = tpu.memref_squeeze %dma_start3A_142 : memref<1x640xi32, #tpu.memory_space<hbm>> -> memref<640xi32, #tpu.memory_space<hbm>>
      %dma_start3A_144 = arith.constant 0 : i32
      %dma_start3A_145 = tpu.memref_slice %arg3[%min3A_140, %dma_start3A_144] : memref<4096x640xi32, #tpu.memory_space<hbm>> -> memref<1x640xi32, #tpu.memory_space<hbm>>
      %dma_start3A_146 = tpu.memref_squeeze %dma_start3A_145 : memref<1x640xi32, #tpu.memory_space<hbm>> -> memref<640xi32, #tpu.memory_space<hbm>>
      tpu.enqueue_dma source(%dma_start3A_146 : memref<640xi32, #tpu.memory_space<hbm>>) target(%arg7 : memref<640xi32, #tpu.memory_space<vmem>>) target_semaphore(%arg13 : memref<!tpu.dma_semaphore, #tpu.memory_space<semaphore_mem>>)
      %broadcast_in_dim3A_147 = arith.constant 0.000000e+00 : f32
      %broadcast_in_dim3A_148 = vector.broadcast %broadcast_in_dim3A_147 : f32 to vector<16xf32>
      %scan3A_149 = arith.constant 0 : i32
      %scan3A_150 = arith.constant 50 : i32
      %scan3A_151 = arith.addi %scan3A_149, %scan3A_150 : i32
      %scan3A_152 = arith.constant 1 : i32
      %scan3A_153:4 = scf.for %scan3A_258 = %scan3A_149 to %scan3A_151 step %scan3A_152 iter_args(%scan3A_259 = %broadcast_in_dim3A_148, %scan3A_260 = %broadcast_in_dim3A_148, %scan3A_261 = %broadcast_in_dim3A_148, %scan3A_262 = %broadcast_in_dim3A_148) -> (vector<16xf32>, vector<16xf32>, vector<16xf32>, vector<16xf32>)  : i32 {
        %mul3A_263 = arith.constant 4 : i32
        %mul3A_264 = arith.muli %mul3A_263, %scan3A_258 : i32
        %get3A_265 = arith.index_cast %mul3A_264 : i32 to index
        %get3A_266 = arith.constant 0 : index
        %get3A_267 = tpu.vector_load %arg9[%get3A_265, %get3A_266] {strides = array<i32>} : memref<200x16xf32, #tpu.memory_space<vmem>>, vector<1x16xf32>,
        %get3A_268 = vector.shape_cast %get3A_267 : vector<1x16xf32> to vector<16xf32>
        %add3A_269 = arith.addf %scan3A_259, %get3A_268 : vector<16xf32>
        %mul3A_270 = arith.constant 4 : i32
        %mul3A_271 = arith.muli %mul3A_270, %scan3A_258 : i32
        %add3A_272 = arith.constant 1 : i32
        %add3A_273 = arith.addi %mul3A_271, %add3A_272 : i32
        %get3A_274 = arith.index_cast %add3A_273 : i32 to index
        %get3A_275 = arith.constant 0 : index
        %get3A_276 = tpu.vector_load %arg9[%get3A_274, %get3A_275] {strides = array<i32>} : memref<200x16xf32, #tpu.memory_space<vmem>>, vector<1x16xf32>,
        %get3A_277 = vector.shape_cast %get3A_276 : vector<1x16xf32> to vector<16xf32>
        %add3A_278 = arith.addf %scan3A_260, %get3A_277 : vector<16xf32>
        %mul3A_279 = arith.constant 4 : i32
        %mul3A_280 = arith.muli %mul3A_279, %scan3A_258 : i32
        %add3A_281 = arith.constant 2 : i32
        %add3A_282 = arith.addi %mul3A_280, %add3A_281 : i32
        %get3A_283 = arith.index_cast %add3A_282 : i32 to index
        %get3A_284 = arith.constant 0 : index
        %get3A_285 = tpu.vector_load %arg9[%get3A_283, %get3A_284] {strides = array<i32>} : memref<200x16xf32, #tpu.memory_space<vmem>>, vector<1x16xf32>,
        %get3A_286 = vector.shape_cast %get3A_285 : vector<1x16xf32> to vector<16xf32>
        %add3A_287 = arith.addf %scan3A_261, %get3A_286 : vector<16xf32>
        %mul3A_288 = arith.constant 4 : i32
        %mul3A_289 = arith.muli %mul3A_288, %scan3A_258 : i32
        %add3A_290 = arith.constant 3 : i32
        %add3A_291 = arith.addi %mul3A_289, %add3A_290 : i32
        %get3A_292 = arith.index_cast %add3A_291 : i32 to index
        %get3A_293 = arith.constant 0 : index
        %get3A_294 = tpu.vector_load %arg9[%get3A_292, %get3A_293] {strides = array<i32>} : memref<200x16xf32, #tpu.memory_space<vmem>>, vector<1x16xf32>,
        %get3A_295 = vector.shape_cast %get3A_294 : vector<1x16xf32> to vector<16xf32>
        %add3A_296 = arith.addf %scan3A_262, %get3A_295 : vector<16xf32>
        scf.yield %add3A_269, %add3A_278, %add3A_287, %add3A_296 : vector<16xf32>, vector<16xf32>, vector<16xf32>, vector<16xf32>
      }
      %scan3A_154 = arith.constant 50 : i32
      %add3A_155 = arith.addf %scan3A_153#0, %scan3A_153#1 : vector<16xf32>
      %add3A_156 = arith.addf %scan3A_153#2, %scan3A_153#3 : vector<16xf32>
      %add3A_157 = arith.addf %add3A_155, %add3A_156 : vector<16xf32>
      %get3A = arith.index_cast %mul3A_92 : i32 to index
      %get3A_158 = arith.constant 0 : index
      %get3A_159 = tpu.vector_load %arg11[%get3A, %get3A_158] {strides = array<i32>} : memref<128x16xf32, #tpu.memory_space<vmem>>, vector<1x16xf32>,
      %get3A_160 = vector.shape_cast %get3A_159 : vector<1x16xf32> to vector<16xf32>
      %add3A_161 = arith.addf %add3A_157, %get3A_160 : vector<16xf32>
      %mul3A_162 = arith.constant 0.00167504186 : f32
      %mul3A_163 = vector.broadcast %mul3A_162 : f32 to vector<16xf32>
      %mul3A_164 = arith.mulf %add3A_161, %mul3A_163 : vector<16xf32>
      %get3A_165 = arith.constant 0 : index
      %get3A_166 = tpu.vector_load %arg12[%get3A_165] {strides = array<i32>} : memref<16xf32, #tpu.memory_space<vmem>>, vector<16xf32>,
      %get3A_167 = vector.shape_cast %get3A_166 : vector<16xf32> to vector<16xf32>
      %add3A_168 = arith.addf %mul3A_164, %get3A_167 : vector<16xf32>
      %swap3A_169 = arith.index_cast %mul3A_92 : i32 to index
      %swap3A_170 = arith.constant 0 : index
      %swap3A_171 = tpu.vector_load %arg11[%swap3A_169, %swap3A_170] {strides = array<i32>} : memref<128x16xf32, #tpu.memory_space<vmem>>, vector<1x16xf32>,
      %swap3A_172 = vector.shape_cast %swap3A_171 : vector<1x16xf32> to vector<16xf32>
      %swap3A_173 = vector.shape_cast %add3A_168 : vector<16xf32> to vector<1x16xf32>
      tpu.vector_store %arg11[%swap3A_169, %swap3A_170], %swap3A_173 {strides = array<i32>} : memref<128x16xf32, #tpu.memory_space<vmem>>, vector<1x16xf32>,
      %add3A_174 = arith.constant 2 : i32
      %add3A_175 = arith.addi %mul3A_92, %add3A_174 : i32
      %add3A_176 = arith.addi %mul3A_32, %add3A_175 : i32
      %min3A_177 = arith.constant 4095 : i32
      %min3A_178 = arith.minsi %add3A_176, %min3A_177 : i32
      %dma_wait3A_179 = arith.constant 0 : i32
      %dma_wait3A_180 = tpu.memref_slice %arg3[%min3A_178, %dma_wait3A_179] : memref<4096x640xi32, #tpu.memory_space<hbm>> -> memref<1x640xi32, #tpu.memory_space<hbm>>
      %dma_wait3A_181 = tpu.memref_squeeze %dma_wait3A_180 : memref<1x640xi32, #tpu.memory_space<hbm>> -> memref<640xi32, #tpu.memory_space<hbm>>
      %dma_wait3A_182 = arith.constant 0 : i32
      %dma_wait3A_183 = tpu.memref_slice %arg3[%min3A_178, %dma_wait3A_182] : memref<4096x640xi32, #tpu.memory_space<hbm>> -> memref<1x640xi32, #tpu.memory_space<hbm>>
      %dma_wait3A_184 = tpu.memref_squeeze %dma_wait3A_183 : memref<1x640xi32, #tpu.memory_space<hbm>> -> memref<640xi32, #tpu.memory_space<hbm>>
      tpu.wait_dma2 semaphore(%arg13 : memref<!tpu.dma_semaphore, #tpu.memory_space<semaphore_mem>>) src(%dma_wait3A_184 : memref<640xi32, #tpu.memory_space<hbm>>) dst(%arg7 : memref<640xi32, #tpu.memory_space<vmem>>)
      %dma_start3A_185 = arith.constant 0 : i32
      %dma_start3A_186 = arith.constant 0 : i32
      %dma_start3A_187 = tpu.memref_slice %arg9[%dma_start3A_185, %dma_start3A_186] : memref<200x16xf32, #tpu.memory_space<vmem>> -> memref<104x16xf32, #tpu.memory_space<vmem>>
      %dma_start3A_188 = arith.constant 400 : i32
      %dma_start3A_189 = tpu.memref_slice %arg7[%dma_start3A_188] : memref<640xi32, #tpu.memory_space<vmem>> -> memref<104xi32, #tpu.memory_space<vmem>>
      %dma_start3A_190 = arith.constant 0 : i32
      %dma_start3A_191 = arith.constant 0 : i32
      %dma_start3A_192 = tpu.memref_slice %arg2[%dma_start3A_190, %dma_start3A_191] : memref<1000000x16xf32, #tpu.memory_space<hbm>> -> memref<1000000x16xf32, #tpu.memory_space<hbm>>
      tpu.enqueue_indirect_dma source(%dma_start3A_192 : memref<1000000x16xf32, #tpu.memory_space<hbm>>) target(%dma_start3A_187 : memref<104x16xf32, #tpu.memory_space<vmem>>) offsets(%dma_start3A_189 : memref<104xi32, #tpu.memory_space<vmem>>) semaphore(%arg14 : memref<!tpu.dma_semaphore, #tpu.memory_space<semaphore_mem>>)
      %dma_start3A_193 = arith.constant 104 : i32
      %dma_start3A_194 = arith.constant 0 : i32
      %dma_start3A_195 = tpu.memref_slice %arg9[%dma_start3A_193, %dma_start3A_194] : memref<200x16xf32, #tpu.memory_space<vmem>> -> memref<94x16xf32, #tpu.memory_space<vmem>>
      %dma_start3A_196 = arith.constant 504 : i32
      %dma_start3A_197 = tpu.memref_slice %arg7[%dma_start3A_196] : memref<640xi32, #tpu.memory_space<vmem>> -> memref<94xi32, #tpu.memory_space<vmem>>
      %dma_start3A_198 = arith.constant 0 : i32
      %dma_start3A_199 = arith.constant 0 : i32
      %dma_start3A_200 = tpu.memref_slice %arg2[%dma_start3A_198, %dma_start3A_199] : memref<1000000x16xf32, #tpu.memory_space<hbm>> -> memref<1000000x16xf32, #tpu.memory_space<hbm>>
      tpu.enqueue_indirect_dma source(%dma_start3A_200 : memref<1000000x16xf32, #tpu.memory_space<hbm>>) target(%dma_start3A_195 : memref<94x16xf32, #tpu.memory_space<vmem>>) offsets(%dma_start3A_197 : memref<94xi32, #tpu.memory_space<vmem>>) semaphore(%arg14 : memref<!tpu.dma_semaphore, #tpu.memory_space<semaphore_mem>>)
      %dma_wait3A_201 = arith.constant 0 : i32
      %dma_wait3A_202 = arith.constant 0 : i32
      %dma_wait3A_203 = tpu.memref_slice %arg10[%dma_wait3A_201, %dma_wait3A_202] : memref<200x16xf32, #tpu.memory_space<vmem>> -> memref<104x16xf32, #tpu.memory_space<vmem>>
      %dma_wait3A_204 = arith.constant 400 : i32
      %dma_wait3A_205 = tpu.memref_slice %arg8[%dma_wait3A_204] : memref<640xi32, #tpu.memory_space<vmem>> -> memref<104xi32, #tpu.memory_space<vmem>>
      %dma_wait3A_206 = arith.constant 0 : i32
      %dma_wait3A_207 = arith.constant 0 : i32
      %dma_wait3A_208 = tpu.memref_slice %arg2[%dma_wait3A_206, %dma_wait3A_207] : memref<1000000x16xf32, #tpu.memory_space<hbm>> -> memref<1000000x16xf32, #tpu.memory_space<hbm>>
      tpu.wait_indirect_dma semaphore(%arg15 : memref<!tpu.dma_semaphore, #tpu.memory_space<semaphore_mem>>) src(%dma_wait3A_208 : memref<1000000x16xf32, #tpu.memory_space<hbm>>) dst(%dma_wait3A_203 : memref<104x16xf32, #tpu.memory_space<vmem>>)
      %dma_wait3A_209 = arith.constant 104 : i32
      %dma_wait3A_210 = arith.constant 0 : i32
      %dma_wait3A_211 = tpu.memref_slice %arg10[%dma_wait3A_209, %dma_wait3A_210] : memref<200x16xf32, #tpu.memory_space<vmem>> -> memref<94x16xf32, #tpu.memory_space<vmem>>
      %dma_wait3A_212 = arith.constant 504 : i32
      %dma_wait3A_213 = tpu.memref_slice %arg8[%dma_wait3A_212] : memref<640xi32, #tpu.memory_space<vmem>> -> memref<94xi32, #tpu.memory_space<vmem>>
      %dma_wait3A_214 = arith.constant 0 : i32
      %dma_wait3A_215 = arith.constant 0 : i32
      %dma_wait3A_216 = tpu.memref_slice %arg2[%dma_wait3A_214, %dma_wait3A_215] : memref<1000000x16xf32, #tpu.memory_space<hbm>> -> memref<1000000x16xf32, #tpu.memory_space<hbm>>
      tpu.wait_indirect_dma semaphore(%arg15 : memref<!tpu.dma_semaphore, #tpu.memory_space<semaphore_mem>>) src(%dma_wait3A_216 : memref<1000000x16xf32, #tpu.memory_space<hbm>>) dst(%dma_wait3A_211 : memref<94x16xf32, #tpu.memory_space<vmem>>)
      %add3A_217 = arith.constant 3 : i32
      %add3A_218 = arith.addi %mul3A_92, %add3A_217 : i32
      %add3A_219 = arith.addi %mul3A_32, %add3A_218 : i32
      %min3A_220 = arith.constant 4095 : i32
      %min3A_221 = arith.minsi %add3A_219, %min3A_220 : i32
      %dma_start3A_222 = arith.constant 0 : i32
      %dma_start3A_223 = tpu.memref_slice %arg3[%min3A_221, %dma_start3A_222] : memref<4096x640xi32, #tpu.memory_space<hbm>> -> memref<1x640xi32, #tpu.memory_space<hbm>>
      %dma_start3A_224 = tpu.memref_squeeze %dma_start3A_223 : memref<1x640xi32, #tpu.memory_space<hbm>> -> memref<640xi32, #tpu.memory_space<hbm>>
      %dma_start3A_225 = arith.constant 0 : i32
      %dma_start3A_226 = tpu.memref_slice %arg3[%min3A_221, %dma_start3A_225] : memref<4096x640xi32, #tpu.memory_space<hbm>> -> memref<1x640xi32, #tpu.memory_space<hbm>>
      %dma_start3A_227 = tpu.memref_squeeze %dma_start3A_226 : memref<1x640xi32, #tpu.memory_space<hbm>> -> memref<640xi32, #tpu.memory_space<hbm>>
      tpu.enqueue_dma source(%dma_start3A_227 : memref<640xi32, #tpu.memory_space<hbm>>) target(%arg8 : memref<640xi32, #tpu.memory_space<vmem>>) target_semaphore(%arg13 : memref<!tpu.dma_semaphore, #tpu.memory_space<semaphore_mem>>)
      %add3A_228 = arith.constant 1 : i32
      %add3A_229 = arith.addi %mul3A_92, %add3A_228 : i32
      %broadcast_in_dim3A_230 = arith.constant 0.000000e+00 : f32
      %broadcast_in_dim3A_231 = vector.broadcast %broadcast_in_dim3A_230 : f32 to vector<16xf32>
      %scan3A_232 = arith.constant 0 : i32
      %scan3A_233 = arith.constant 50 : i32
      %scan3A_234 = arith.addi %scan3A_232, %scan3A_233 : i32
      %scan3A_235 = arith.constant 1 : i32
      %scan3A_236:4 = scf.for %scan3A_258 = %scan3A_232 to %scan3A_234 step %scan3A_235 iter_args(%scan3A_259 = %broadcast_in_dim3A_231, %scan3A_260 = %broadcast_in_dim3A_231, %scan3A_261 = %broadcast_in_dim3A_231, %scan3A_262 = %broadcast_in_dim3A_231) -> (vector<16xf32>, vector<16xf32>, vector<16xf32>, vector<16xf32>)  : i32 {
        %mul3A_263 = arith.constant 4 : i32
        %mul3A_264 = arith.muli %mul3A_263, %scan3A_258 : i32
        %get3A_265 = arith.index_cast %mul3A_264 : i32 to index
        %get3A_266 = arith.constant 0 : index
        %get3A_267 = tpu.vector_load %arg10[%get3A_265, %get3A_266] {strides = array<i32>} : memref<200x16xf32, #tpu.memory_space<vmem>>, vector<1x16xf32>,
        %get3A_268 = vector.shape_cast %get3A_267 : vector<1x16xf32> to vector<16xf32>
        %add3A_269 = arith.addf %scan3A_259, %get3A_268 : vector<16xf32>
        %mul3A_270 = arith.constant 4 : i32
        %mul3A_271 = arith.muli %mul3A_270, %scan3A_258 : i32
        %add3A_272 = arith.constant 1 : i32
        %add3A_273 = arith.addi %mul3A_271, %add3A_272 : i32
        %get3A_274 = arith.index_cast %add3A_273 : i32 to index
        %get3A_275 = arith.constant 0 : index
        %get3A_276 = tpu.vector_load %arg10[%get3A_274, %get3A_275] {strides = array<i32>} : memref<200x16xf32, #tpu.memory_space<vmem>>, vector<1x16xf32>,
        %get3A_277 = vector.shape_cast %get3A_276 : vector<1x16xf32> to vector<16xf32>
        %add3A_278 = arith.addf %scan3A_260, %get3A_277 : vector<16xf32>
        %mul3A_279 = arith.constant 4 : i32
        %mul3A_280 = arith.muli %mul3A_279, %scan3A_258 : i32
        %add3A_281 = arith.constant 2 : i32
        %add3A_282 = arith.addi %mul3A_280, %add3A_281 : i32
        %get3A_283 = arith.index_cast %add3A_282 : i32 to index
        %get3A_284 = arith.constant 0 : index
        %get3A_285 = tpu.vector_load %arg10[%get3A_283, %get3A_284] {strides = array<i32>} : memref<200x16xf32, #tpu.memory_space<vmem>>, vector<1x16xf32>,
        %get3A_286 = vector.shape_cast %get3A_285 : vector<1x16xf32> to vector<16xf32>
        %add3A_287 = arith.addf %scan3A_261, %get3A_286 : vector<16xf32>
        %mul3A_288 = arith.constant 4 : i32
        %mul3A_289 = arith.muli %mul3A_288, %scan3A_258 : i32
        %add3A_290 = arith.constant 3 : i32
        %add3A_291 = arith.addi %mul3A_289, %add3A_290 : i32
        %get3A_292 = arith.index_cast %add3A_291 : i32 to index
        %get3A_293 = arith.constant 0 : index
        %get3A_294 = tpu.vector_load %arg10[%get3A_292, %get3A_293] {strides = array<i32>} : memref<200x16xf32, #tpu.memory_space<vmem>>, vector<1x16xf32>,
        %get3A_295 = vector.shape_cast %get3A_294 : vector<1x16xf32> to vector<16xf32>
        %add3A_296 = arith.addf %scan3A_262, %get3A_295 : vector<16xf32>
        scf.yield %add3A_269, %add3A_278, %add3A_287, %add3A_296 : vector<16xf32>, vector<16xf32>, vector<16xf32>, vector<16xf32>
      }
      %scan3A_237 = arith.constant 50 : i32
      %add3A_238 = arith.addf %scan3A_236#0, %scan3A_236#1 : vector<16xf32>
      %add3A_239 = arith.addf %scan3A_236#2, %scan3A_236#3 : vector<16xf32>
      %add3A_240 = arith.addf %add3A_238, %add3A_239 : vector<16xf32>
      %get3A_241 = arith.index_cast %add3A_229 : i32 to index
      %get3A_242 = arith.constant 0 : index
      %get3A_243 = tpu.vector_load %arg11[%get3A_241, %get3A_242] {strides = array<i32>} : memref<128x16xf32, #tpu.memory_space<vmem>>, vector<1x16xf32>,
      %get3A_244 = vector.shape_cast %get3A_243 : vector<1x16xf32> to vector<16xf32>
      %add3A_245 = arith.addf %add3A_240, %get3A_244 : vector<16xf32>
      %mul3A_246 = arith.constant 0.00167504186 : f32
      %mul3A_247 = vector.broadcast %mul3A_246 : f32 to vector<16xf32>
      %mul3A_248 = arith.mulf %add3A_245, %mul3A_247 : vector<16xf32>
      %get3A_249 = arith.constant 0 : index
      %get3A_250 = tpu.vector_load %arg12[%get3A_249] {strides = array<i32>} : memref<16xf32, #tpu.memory_space<vmem>>, vector<16xf32>,
      %get3A_251 = vector.shape_cast %get3A_250 : vector<16xf32> to vector<16xf32>
      %add3A_252 = arith.addf %mul3A_248, %get3A_251 : vector<16xf32>
      %swap3A_253 = arith.index_cast %add3A_229 : i32 to index
      %swap3A_254 = arith.constant 0 : index
      %swap3A_255 = tpu.vector_load %arg11[%swap3A_253, %swap3A_254] {strides = array<i32>} : memref<128x16xf32, #tpu.memory_space<vmem>>, vector<1x16xf32>,
      %swap3A_256 = vector.shape_cast %swap3A_255 : vector<1x16xf32> to vector<16xf32>
      %swap3A_257 = vector.shape_cast %add3A_252 : vector<16xf32> to vector<1x16xf32>
      tpu.vector_store %arg11[%swap3A_253, %swap3A_254], %swap3A_257 {strides = array<i32>} : memref<128x16xf32, #tpu.memory_space<vmem>>, vector<1x16xf32>,
    }
    %scan3A_60 = arith.constant 64 : i32
    %dma_wait3A = arith.constant 0 : i32
    %dma_wait3A_61 = arith.constant 0 : i32
    %dma_wait3A_62 = tpu.memref_slice %arg9[%dma_wait3A, %dma_wait3A_61] : memref<200x16xf32, #tpu.memory_space<vmem>> -> memref<104x16xf32, #tpu.memory_space<vmem>>
    %dma_wait3A_63 = arith.constant 400 : i32
    %dma_wait3A_64 = tpu.memref_slice %arg7[%dma_wait3A_63] : memref<640xi32, #tpu.memory_space<vmem>> -> memref<104xi32, #tpu.memory_space<vmem>>
    %dma_wait3A_65 = arith.constant 0 : i32
    %dma_wait3A_66 = arith.constant 0 : i32
    %dma_wait3A_67 = tpu.memref_slice %arg2[%dma_wait3A_65, %dma_wait3A_66] : memref<1000000x16xf32, #tpu.memory_space<hbm>> -> memref<1000000x16xf32, #tpu.memory_space<hbm>>
    tpu.wait_indirect_dma semaphore(%arg14 : memref<!tpu.dma_semaphore, #tpu.memory_space<semaphore_mem>>) src(%dma_wait3A_67 : memref<1000000x16xf32, #tpu.memory_space<hbm>>) dst(%dma_wait3A_62 : memref<104x16xf32, #tpu.memory_space<vmem>>)
    %dma_wait3A_68 = arith.constant 104 : i32
    %dma_wait3A_69 = arith.constant 0 : i32
    %dma_wait3A_70 = tpu.memref_slice %arg9[%dma_wait3A_68, %dma_wait3A_69] : memref<200x16xf32, #tpu.memory_space<vmem>> -> memref<94x16xf32, #tpu.memory_space<vmem>>
    %dma_wait3A_71 = arith.constant 504 : i32
    %dma_wait3A_72 = tpu.memref_slice %arg7[%dma_wait3A_71] : memref<640xi32, #tpu.memory_space<vmem>> -> memref<94xi32, #tpu.memory_space<vmem>>
    %dma_wait3A_73 = arith.constant 0 : i32
    %dma_wait3A_74 = arith.constant 0 : i32
    %dma_wait3A_75 = tpu.memref_slice %arg2[%dma_wait3A_73, %dma_wait3A_74] : memref<1000000x16xf32, #tpu.memory_space<hbm>> -> memref<1000000x16xf32, #tpu.memory_space<hbm>>
    tpu.wait_indirect_dma semaphore(%arg14 : memref<!tpu.dma_semaphore, #tpu.memory_space<semaphore_mem>>) src(%dma_wait3A_75 : memref<1000000x16xf32, #tpu.memory_space<hbm>>) dst(%dma_wait3A_70 : memref<94x16xf32, #tpu.memory_space<vmem>>)
    %add3A_76 = arith.constant 0 : i32
    %add3A_77 = arith.addi %mul3A_32, %add3A_76 : i32
    %min3A_78 = arith.constant 4095 : i32
    %min3A_79 = arith.minsi %add3A_77, %min3A_78 : i32
    %dma_wait3A_80 = arith.constant 0 : i32
    %dma_wait3A_81 = tpu.memref_slice %arg3[%min3A_79, %dma_wait3A_80] : memref<4096x640xi32, #tpu.memory_space<hbm>> -> memref<1x640xi32, #tpu.memory_space<hbm>>
    %dma_wait3A_82 = tpu.memref_squeeze %dma_wait3A_81 : memref<1x640xi32, #tpu.memory_space<hbm>> -> memref<640xi32, #tpu.memory_space<hbm>>
    %dma_wait3A_83 = arith.constant 0 : i32
    %dma_wait3A_84 = tpu.memref_slice %arg3[%min3A_79, %dma_wait3A_83] : memref<4096x640xi32, #tpu.memory_space<hbm>> -> memref<1x640xi32, #tpu.memory_space<hbm>>
    %dma_wait3A_85 = tpu.memref_squeeze %dma_wait3A_84 : memref<1x640xi32, #tpu.memory_space<hbm>> -> memref<640xi32, #tpu.memory_space<hbm>>
    tpu.wait_dma2 semaphore(%arg13 : memref<!tpu.dma_semaphore, #tpu.memory_space<semaphore_mem>>) src(%dma_wait3A_85 : memref<640xi32, #tpu.memory_space<hbm>>) dst(%arg8 : memref<640xi32, #tpu.memory_space<vmem>>)
    "tpu.region"() ({
      %run_scoped3A = tpu.sem_alloc : memref<!tpu.dma_semaphore, #tpu.memory_space<semaphore_mem>>
      %dma_start3A_86 = arith.constant 0 : i32
      %dma_start3A_87 = tpu.memref_slice %arg6[%mul3A_32, %dma_start3A_86] : memref<4096x16xf32, #tpu.memory_space<hbm>> -> memref<128x16xf32, #tpu.memory_space<hbm>>
      %dma_start3A_88 = arith.constant 0 : i32
      %dma_start3A_89 = tpu.memref_slice %arg6[%mul3A_32, %dma_start3A_88] : memref<4096x16xf32, #tpu.memory_space<hbm>> -> memref<128x16xf32, #tpu.memory_space<hbm>>
      tpu.enqueue_dma source(%arg11 : memref<128x16xf32, #tpu.memory_space<vmem>>) target(%dma_start3A_89 : memref<128x16xf32, #tpu.memory_space<hbm>>) target_semaphore(%run_scoped3A : memref<!tpu.dma_semaphore, #tpu.memory_space<semaphore_mem>>)
      %dma_wait3A_90 = arith.constant 0 : i32
      %dma_wait3A_91 = tpu.memref_slice %arg6[%mul3A_32, %dma_wait3A_90] : memref<4096x16xf32, #tpu.memory_space<hbm>> -> memref<128x16xf32, #tpu.memory_space<hbm>>
      %dma_wait3A_92 = arith.constant 0 : i32
      %dma_wait3A_93 = tpu.memref_slice %arg6[%mul3A_32, %dma_wait3A_92] : memref<4096x16xf32, #tpu.memory_space<hbm>> -> memref<128x16xf32, #tpu.memory_space<hbm>>
      tpu.wait_dma2 semaphore(%run_scoped3A : memref<!tpu.dma_semaphore, #tpu.memory_space<semaphore_mem>>) src(%arg11 : memref<128x16xf32, #tpu.memory_space<vmem>>) dst(%dma_wait3A_93 : memref<128x16xf32, #tpu.memory_space<hbm>>)
      tpu.yield
    }) : () -> ()
    return
  }
}

module attributes {stable_mosaic.version = 14 : i64} {
  func.func @_idx_body(%arg0: i32, %arg1: memref<512x200xi32, #tpu.memory_space<vmem>>, %arg2: memref<512x640xi32, #tpu.memory_space<vmem>>) attributes {dimension_semantics = [#tpu.dimension_semantics<arbitrary>], iteration_bounds = array<i64: 8>, scalar_prefetch = 0 : i64, scratch_operands = 0 : i64, tpu.core_type = #tpu.core_type<tc>, window_params = [{transform_indices = @transform_0, window_bounds = array<i64: 512, 200>}, {transform_indices = @transform_1, window_bounds = array<i64: 512, 640>}]} {
    %get3A = arith.constant 0 : index
    %get3A_0 = arith.constant 0 : index
    %get3A_1 = vector.load %arg1[%get3A, %get3A_0] : memref<512x200xi32, #tpu.memory_space<vmem>>, vector<512x200xi32>
    %slice3A = vector.extract_strided_slice %get3A_1 {offsets = [0, 0], sizes = [512, 199], strides = [1, 1]} : vector<512x200xi32> to vector<512x199xi32>
    %add3A = arith.constant 104 : i32
    %add3A_2 = vector.broadcast %add3A : i32 to vector<512x199xi32>
    %add3A_3 = arith.addi %add3A_2, %slice3A : vector<512x199xi32>
    %slice3A_4 = vector.extract_strided_slice %get3A_1 {offsets = [0, 1], sizes = [512, 199], strides = [1, 1]} : vector<512x200xi32> to vector<512x199xi32>
    %mul3A = arith.constant 100 : i32
    %mul3A_5 = vector.broadcast %mul3A : i32 to vector<512x199xi32>
    %mul3A_6 = arith.muli %mul3A_5, %slice3A_4 : vector<512x199xi32>
    %add3A_7 = arith.addi %add3A_3, %mul3A_6 : vector<512x199xi32>
    %slice3A_8 = vector.extract_strided_slice %get3A_1 {offsets = [0, 0], sizes = [512, 198], strides = [1, 1]} : vector<512x200xi32> to vector<512x198xi32>
    %slice3A_9 = vector.extract_strided_slice %get3A_1 {offsets = [0, 1], sizes = [512, 198], strides = [1, 1]} : vector<512x200xi32> to vector<512x198xi32>
    %mul3A_10 = arith.constant 100 : i32
    %mul3A_11 = vector.broadcast %mul3A_10 : i32 to vector<512x198xi32>
    %mul3A_12 = arith.muli %mul3A_11, %slice3A_9 : vector<512x198xi32>
    %add3A_13 = arith.addi %slice3A_8, %mul3A_12 : vector<512x198xi32>
    %slice3A_14 = vector.extract_strided_slice %get3A_1 {offsets = [0, 2], sizes = [512, 198], strides = [1, 1]} : vector<512x200xi32> to vector<512x198xi32>
    %mul3A_15 = arith.constant 10000 : i32
    %mul3A_16 = vector.broadcast %mul3A_15 : i32 to vector<512x198xi32>
    %mul3A_17 = arith.muli %mul3A_16, %slice3A_14 : vector<512x198xi32>
    %add3A_18 = arith.addi %add3A_13, %mul3A_17 : vector<512x198xi32>
    %broadcast_in_dim3A = arith.constant 10104 : i32
    %broadcast_in_dim3A_19 = vector.broadcast %broadcast_in_dim3A : i32 to vector<512x1xi32>
    %broadcast_in_dim3A_20 = arith.constant 10104 : i32
    %broadcast_in_dim3A_21 = vector.broadcast %broadcast_in_dim3A_20 : i32 to vector<512x42xi32>
    %concatenate3A = tpu.concatenate %get3A_1, %add3A_7, %broadcast_in_dim3A_19, %add3A_18, %broadcast_in_dim3A_21 in 1 : vector<512x200xi32>, vector<512x199xi32>, vector<512x1xi32>, vector<512x198xi32>, vector<512x42xi32> -> vector<512x640xi32>
    %swap3A = arith.constant 0 : index
    %swap3A_22 = arith.constant 0 : index
    %swap3A_23 = vector.load %arg2[%swap3A, %swap3A_22] : memref<512x640xi32, #tpu.memory_space<vmem>>, vector<512x640xi32>
    tpu.vector_store %arg2[%swap3A, %swap3A_22], %concatenate3A {strides = array<i32>} : memref<512x640xi32, #tpu.memory_space<vmem>>, vector<512x640xi32>,
    return
  }
  func.func @transform_0(%arg0: i32) -> (i32, i32) {
    %c0_i32 = arith.constant 0 : i32
    %c0_i32_0 = arith.constant 0 : i32
    return %arg0, %c0_i32 : i32, i32
  }
  func.func @transform_1(%arg0: i32) -> (i32, i32) {
    %c0_i32 = arith.constant 0 : i32
    %c0_i32_0 = arith.constant 0 : i32
    return %arg0, %c0_i32 : i32, i32
  }
}

module attributes {stable_mosaic.version = 14 : i64} {
  func.func @_c12_body(%arg0: i32, %arg1: memref<100x64xf32, #tpu.memory_space<vmem>>, %arg2: memref<10000x64xf32, #tpu.memory_space<vmem>>, %arg3: memref<64x16xf32, #tpu.memory_space<vmem>>, %arg4: memref<10112x16xf32, #tpu.memory_space<vmem>>) attributes {dimension_semantics = [#tpu.dimension_semantics<arbitrary>], iteration_bounds = array<i64: 8>, scalar_prefetch = 0 : i64, scratch_operands = 0 : i64, tpu.core_type = #tpu.core_type<tc>, window_params = [{pipeline_mode = #tpu.pipeline_mode<synchronous>, transform_indices = @transform_0, window_bounds = array<i64: 100, 64>}, {pipeline_mode = #tpu.pipeline_mode<synchronous>, transform_indices = @transform_1, window_bounds = array<i64: 10000, 64>}, {pipeline_mode = #tpu.pipeline_mode<synchronous>, transform_indices = @transform_2, window_bounds = array<i64: 64, 16>}, {transform_indices = @transform_3, window_bounds = array<i64: 10112, 16>}]} {
    %get3A = arith.constant 0 : index
    %get3A_0 = arith.constant 0 : index
    %get3A_1 = vector.load %arg3[%get3A, %get3A_0] : memref<64x16xf32, #tpu.memory_space<vmem>>, vector<64x16xf32>
    %get3A_2 = arith.constant 0 : index
    %get3A_3 = arith.constant 0 : index
    %get3A_4 = vector.load %arg1[%get3A_2, %get3A_3] : memref<100x64xf32, #tpu.memory_space<vmem>>, vector<100x64xf32>
    %dot_general3A = arith.constant dense<0.000000e+00> : vector<100x16xf32>
    %dot_general3A_5 = tpu.matmul %get3A_4, %get3A_1, %dot_general3A {dimension_numbers = #tpu.dot_dimension_numbers<[1], [0], [0], [1], [0, 0, 1, 1], [], []>, transpose_lhs_hint = false} : vector<100x64xf32>, vector<64x16xf32>, vector<100x16xf32> -> vector<100x16xf32>
    %broadcast_in_dim3A = arith.constant 0.000000e+00 : f32
    %broadcast_in_dim3A_6 = vector.broadcast %broadcast_in_dim3A : f32 to vector<4x16xf32>
    %concatenate3A = tpu.concatenate %dot_general3A_5, %broadcast_in_dim3A_6 in 0 : vector<100x16xf32>, vector<4x16xf32> -> vector<104x16xf32>
    %swap3A = arith.constant 0 : index
    %swap3A_7 = arith.constant 0 : index
    %swap3A_8 = vector.load %arg4[%swap3A, %swap3A_7] : memref<10112x16xf32, #tpu.memory_space<vmem>>, vector<104x16xf32>
    tpu.vector_store %arg4[%swap3A, %swap3A_7], %concatenate3A {strides = array<i32>} : memref<10112x16xf32, #tpu.memory_space<vmem>>, vector<104x16xf32>,
    %get3A_9 = arith.constant 0 : index
    %get3A_10 = arith.constant 0 : index
    %get3A_11 = vector.load %arg2[%get3A_9, %get3A_10] : memref<10000x64xf32, #tpu.memory_space<vmem>>, vector<10000x64xf32>
    %dot_general3A_12 = arith.constant dense<0.000000e+00> : vector<10000x16xf32>
    %dot_general3A_13 = tpu.matmul %get3A_11, %get3A_1, %dot_general3A_12 {dimension_numbers = #tpu.dot_dimension_numbers<[1], [0], [0], [1], [0, 0, 1, 1], [], []>, transpose_lhs_hint = false} : vector<10000x64xf32>, vector<64x16xf32>, vector<10000x16xf32> -> vector<10000x16xf32>
    %swap3A_14 = arith.constant 104 : index
    %swap3A_15 = arith.constant 0 : index
    %swap3A_16 = vector.load %arg4[%swap3A_14, %swap3A_15] : memref<10112x16xf32, #tpu.memory_space<vmem>>, vector<10000x16xf32>
    tpu.vector_store %arg4[%swap3A_14, %swap3A_15], %dot_general3A_13 {strides = array<i32>} : memref<10112x16xf32, #tpu.memory_space<vmem>>, vector<10000x16xf32>,
    %broadcast_in_dim3A_17 = arith.constant 0.000000e+00 : f32
    %broadcast_in_dim3A_18 = vector.broadcast %broadcast_in_dim3A_17 : f32 to vector<8x16xf32>
    %swap3A_19 = arith.constant 10104 : index
    %swap3A_20 = arith.constant 0 : index
    %swap3A_21 = vector.load %arg4[%swap3A_19, %swap3A_20] : memref<10112x16xf32, #tpu.memory_space<vmem>>, vector<8x16xf32>
    tpu.vector_store %arg4[%swap3A_19, %swap3A_20], %broadcast_in_dim3A_18 {strides = array<i32>} : memref<10112x16xf32, #tpu.memory_space<vmem>>, vector<8x16xf32>,
    return
  }
  func.func @transform_0(%arg0: i32) -> (i32, i32) {
    %c0_i32 = arith.constant 0 : i32
    %c0_i32_0 = arith.constant 0 : i32
    %c0_i32_1 = arith.constant 0 : i32
    return %c0_i32, %c0_i32_0 : i32, i32
  }
  func.func @transform_1(%arg0: i32) -> (i32, i32) {
    %c0_i32 = arith.constant 0 : i32
    %c0_i32_0 = arith.constant 0 : i32
    %c0_i32_1 = arith.constant 0 : i32
    return %c0_i32, %c0_i32_0 : i32, i32
  }
  func.func @transform_2(%arg0: i32) -> (i32, i32) {
    %c0_i32 = arith.constant 0 : i32
    %c0_i32_0 = arith.constant 0 : i32
    %c0_i32_1 = arith.constant 0 : i32
    return %c0_i32, %c0_i32_0 : i32, i32
  }
  func.func @transform_3(%arg0: i32) -> (i32, i32) {
    %c0_i32 = arith.constant 0 : i32
    %c0_i32_0 = arith.constant 0 : i32
    return %arg0, %c0_i32 : i32, i32
  }
}

module attributes {stable_mosaic.version = 14 : i64} {
  func.func @_proj_body(%arg0: i32, %arg1: memref<64x16384xf32, #tpu.memory_space<vmem>>, %arg2: memref<64x16xf32, #tpu.memory_space<vmem>>, %arg3: memref<2048x128xf32, #tpu.memory_space<vmem>>) attributes {dimension_semantics = [#tpu.dimension_semantics<arbitrary>], iteration_bounds = array<i64: 62>, scalar_prefetch = 0 : i64, scratch_operands = 0 : i64, tpu.core_type = #tpu.core_type<tc>, window_params = [{transform_indices = @transform_0, window_bounds = array<i64: 64, 16384>}, {pipeline_mode = #tpu.pipeline_mode<synchronous>, transform_indices = @transform_1, window_bounds = array<i64: 64, 16>}, {transform_indices = @transform_2, window_bounds = array<i64: 2048, 128>}]} {
    %get3A = arith.constant 0 : index
    %get3A_0 = arith.constant 0 : index
    %get3A_1 = vector.load %arg1[%get3A, %get3A_0] : memref<64x16384xf32, #tpu.memory_space<vmem>>, vector<64x16384xf32>
    %get3A_2 = arith.constant 0 : index
    %get3A_3 = arith.constant 0 : index
    %get3A_4 = vector.load %arg2[%get3A_2, %get3A_3] : memref<64x16xf32, #tpu.memory_space<vmem>>, vector<64x16xf32>
    %dot_general3A = arith.constant dense<0.000000e+00> : vector<16384x16xf32>
    %dot_general3A_5 = tpu.matmul %get3A_1, %get3A_4, %dot_general3A {dimension_numbers = #tpu.dot_dimension_numbers<[0], [0], [1], [1], [0, 1, 1, 1], [], []>, transpose_lhs_hint = true} : vector<64x16384xf32>, vector<64x16xf32>, vector<16384x16xf32> -> vector<16384x16xf32>
    %reshape3A = vector.shape_cast %dot_general3A_5 : vector<16384x16xf32> to vector<2048x8x16xf32>
    %slice3A = vector.extract_strided_slice %reshape3A {offsets = [0, 0, 0], sizes = [2048, 1, 16], strides = [1, 1, 1]} : vector<2048x8x16xf32> to vector<2048x1x16xf32>
    %squeeze3A = vector.shape_cast %slice3A : vector<2048x1x16xf32> to vector<2048x16xf32>
    %slice3A_6 = vector.extract_strided_slice %reshape3A {offsets = [0, 1, 0], sizes = [2048, 1, 16], strides = [1, 1, 1]} : vector<2048x8x16xf32> to vector<2048x1x16xf32>
    %squeeze3A_7 = vector.shape_cast %slice3A_6 : vector<2048x1x16xf32> to vector<2048x16xf32>
    %slice3A_8 = vector.extract_strided_slice %reshape3A {offsets = [0, 2, 0], sizes = [2048, 1, 16], strides = [1, 1, 1]} : vector<2048x8x16xf32> to vector<2048x1x16xf32>
    %squeeze3A_9 = vector.shape_cast %slice3A_8 : vector<2048x1x16xf32> to vector<2048x16xf32>
    %slice3A_10 = vector.extract_strided_slice %reshape3A {offsets = [0, 3, 0], sizes = [2048, 1, 16], strides = [1, 1, 1]} : vector<2048x8x16xf32> to vector<2048x1x16xf32>
    %squeeze3A_11 = vector.shape_cast %slice3A_10 : vector<2048x1x16xf32> to vector<2048x16xf32>
    %slice3A_12 = vector.extract_strided_slice %reshape3A {offsets = [0, 4, 0], sizes = [2048, 1, 16], strides = [1, 1, 1]} : vector<2048x8x16xf32> to vector<2048x1x16xf32>
    %squeeze3A_13 = vector.shape_cast %slice3A_12 : vector<2048x1x16xf32> to vector<2048x16xf32>
    %slice3A_14 = vector.extract_strided_slice %reshape3A {offsets = [0, 5, 0], sizes = [2048, 1, 16], strides = [1, 1, 1]} : vector<2048x8x16xf32> to vector<2048x1x16xf32>
    %squeeze3A_15 = vector.shape_cast %slice3A_14 : vector<2048x1x16xf32> to vector<2048x16xf32>
    %slice3A_16 = vector.extract_strided_slice %reshape3A {offsets = [0, 6, 0], sizes = [2048, 1, 16], strides = [1, 1, 1]} : vector<2048x8x16xf32> to vector<2048x1x16xf32>
    %squeeze3A_17 = vector.shape_cast %slice3A_16 : vector<2048x1x16xf32> to vector<2048x16xf32>
    %slice3A_18 = vector.extract_strided_slice %reshape3A {offsets = [0, 7, 0], sizes = [2048, 1, 16], strides = [1, 1, 1]} : vector<2048x8x16xf32> to vector<2048x1x16xf32>
    %squeeze3A_19 = vector.shape_cast %slice3A_18 : vector<2048x1x16xf32> to vector<2048x16xf32>
    %concatenate3A = tpu.concatenate %squeeze3A, %squeeze3A_7, %squeeze3A_9, %squeeze3A_11, %squeeze3A_13, %squeeze3A_15, %squeeze3A_17, %squeeze3A_19 in 1 : vector<2048x16xf32>, vector<2048x16xf32>, vector<2048x16xf32>, vector<2048x16xf32>, vector<2048x16xf32>, vector<2048x16xf32>, vector<2048x16xf32>, vector<2048x16xf32> -> vector<2048x128xf32>
    %swap3A = arith.constant 0 : index
    %swap3A_20 = arith.constant 0 : index
    %swap3A_21 = vector.load %arg3[%swap3A, %swap3A_20] : memref<2048x128xf32, #tpu.memory_space<vmem>>, vector<2048x128xf32>
    tpu.vector_store %arg3[%swap3A, %swap3A_20], %concatenate3A {strides = array<i32>} : memref<2048x128xf32, #tpu.memory_space<vmem>>, vector<2048x128xf32>,
    return
  }
  func.func @transform_0(%arg0: i32) -> (i32, i32) {
    %c0_i32 = arith.constant 0 : i32
    %c0_i32_0 = arith.constant 0 : i32
    return %c0_i32, %arg0 : i32, i32
  }
  func.func @transform_1(%arg0: i32) -> (i32, i32) {
    %c0_i32 = arith.constant 0 : i32
    %c0_i32_0 = arith.constant 0 : i32
    %c0_i32_1 = arith.constant 0 : i32
    return %c0_i32, %c0_i32_0 : i32, i32
  }
  func.func @transform_2(%arg0: i32) -> (i32, i32) {
    %c0_i32 = arith.constant 0 : i32
    %c0_i32_0 = arith.constant 0 : i32
    return %arg0, %c0_i32 : i32, i32
  }
}

</mosaic_0001>

<sc_bundles>
// kernel: kernel.10.cloned.1.call-start
scs
__scs_entry_jumppad:
0x0: {  	(pc) =	sbr.rel $0x88, $3  }
0x1: {  	(tag) =	ssettag $0x0;
	lr =	simm.s32 $0x1  }
0x2: {  	[smem:$0x3F9B] =	sst lr;
	_ =	strace $0xD0000000  }
0x3: {  	_ = 	snop  }
0x4: {  	_ = 	snop  }
0x5: {  	_ = 	snop  }
0x6: {  	_ = 	snop  }
0x7: {  	_ = 	snop  }
__scs_overlays_trampoline_lowered:
0x8: {  	[smem:$0x3FAA] =	sst s0  }
0x9: {  	[smem:$0x3FAB] =	sst s1  }
0xa: {  	[smem:$0x3FAC] =	sst s2  }
0xb: {  	[smem:$0x3FAD] =	sst s3  }
0xc: {  	[smem:$0x3FAE] =	sst s4  }
0xd: {  	[smem:$0x3FAF] =	sst s5  }
0xe: {  	[smem:$0x3FB0] =	sst s6  }
0xf: {  	[smem:$0x3FB1] =	sst s7  }
0x10: {  	[smem:$0x3FB2] =	sst s8  }
0x11: {  	[smem:$0x3FB3] =	sst s9;
	s0 =	simm.s32 @!p0 $0x0  }
0x12: {  	s1 =	sld [smem:$0x3F99];
	s0 =	simm.s32 @p0 $0x1  }
0x13: {  	[smem:$0x3FB4] =	sst s0;
	s0 =	simm.s32 @!p1 $0x0  }
0x14: {  	s2 =	sld [smem:$0x3F98];
	s0 =	simm.s32 @p1 $0x1  }
0x15: {  	[smem:$0x3FB5] =	sst s0;
	s0 =	simm.s32 @!p2 $0x0  }
0x16: {  	s3 =	sld [smem:$0x3FDB];
	s0 =	simm.s32 @p2 $0x1  }
0x17: {  	s4 =	simm.s32 $0x1BF5;
	[smem:$0x3FB7] =	sst s0  }
0x18: {  	s0 =	sld [smem:$0x3F9A];
	_ =	swait.ge [sflag:s4], $0x0  }
0x19: {  	s7 =	sld [smem:$0x3F9B]  }
0x1a: {  	s8 =	sadd.s32 $0xFFFFE003, lr  }
0x1b: {  	s9 =	sadd.s32 $0xFFFFFEF7, lr;
	s5 =	simm.s32 $0xFFFFFFFF;
	p2 =	slt.u32 s8, $0xFFFFF086  }
0x1c: {  	p1 =	slt.u32 s9, $0xF7A;
	s5 =	simm.s32 @!p2 $0x0  }
0x1d: {  	s5 =	simm.s32 @p1 $0x1;
	p0 =	seq.s32 s7, s2  }
0x1e: {  	s7 =	smul.u32 @!p0 $0xF7A, s2;
	p2 =	seq.s32 @!p0 s5, $0x0  }
0x1f: {  	s9 =	smul.u32 $0xF7A, s1;
	s8 =	simm.s32 @!p0 $0x1BF5;
	p2 =	por !p2, p0  }
0x20: {  	[sflag:s8] =	ssyncset.s32 @!p0 $0xFFFFF086;
	s6 =	sadd.s32 @!p0 s3, s7;
	s7 =	simm.s32 @!p0 $0x108  }
0x21: {  	s3 =	sadd.s32 s3, s9;
	s6 =	sadd.s32 @!p0 $0x88, s6;
	s7 =	simm.s32 @p2 $0x1082  }
0x22: {  	[simem:s7], [sflag:s8] =	dma.local @!p0 [hbm:s6], $0xF7A  }
0x23: {  	s9 =	sor.u32 $0xD0000000, s2;
	s6 =	simm.s32 $0x108;
	_ =	swait.ge @!p0 [sflag:s8], $0x0  }
0x24: {  	s3 =	sadd.s32 $0x88, s3;
	s6 =	simm.s32 @!p1 $0x1082;
	[sflag:s4] =	ssyncset.s32 $0xFFFFF086  }
0x25: {  	[simem:s6], [sflag:s4] =	dma.local [hbm:s3], $0xF7A  }
0x26: {  	[smem:$0x3F9B] =	sst s1;
	(tag) =	ssettag s2;
	_ =	strace s9  }
0x27: {  	s1 =	sld [smem:$0x3FAB]  }
0x28: {  	s2 =	sld [smem:$0x3FAC]  }
0x29: {  	s4 =	sld [smem:$0x3FAE]  }
0x2a: {  	p0 =	seq.s32 s5, $0x0;
	s5 =	sld [smem:$0x3FAF]  }
0x2b: {  	s6 =	sld [smem:$0x3FB0]  }
0x2c: {  	s7 =	sld [smem:$0x3FB1]  }
0x2d: {  	s3 =	simm.s32 $0x108;
	s8 =	sld [smem:$0x3FB2]  }
0x2e: {  	s3 =	simm.s32 @!p0 $0x1082;
	s9 =	sld [smem:$0x3FB3]  }
0x2f: {  	lr =	sadd.s32 s0, s3;
	s0 =	sld [smem:$0x3FAA]  }
0x30: {  	s3 =	sld [smem:$0x3FAD]  }
0x31: {  	[smem:$0x3FB6] =	sst s10  }
0x32: {  	s10 =	sld [smem:$0x3FB4];
	_ =	sdelay $0x3  }
0x33: {  	p0 =	seq.s32 s10, $0x1;
	s10 =	sld [smem:$0x3FB6];
	_ =	sdelay $0x3  }
0x34: {  	[smem:$0x3FB6] =	sst s10  }
0x35: {  	s10 =	sld [smem:$0x3FB5];
	_ =	sdelay $0x3  }
0x36: {  	p1 =	seq.s32 s10, $0x1;
	s10 =	sld [smem:$0x3FB6];
	_ =	sdelay $0x3  }
0x37: {  	[smem:$0x3FB6] =	sst s10  }
0x38: {  	s10 =	sld [smem:$0x3FB7]  }
0x39: {  	_ = 	snop;
	(pc) =	sbr.ind lr, $3  }
0x3a: {  	_ = 	snop  }
0x3b: {  	_ = 	snop  }
0x3c: {  	p2 =	seq.s32 s10, $0x1;
	s10 =	sld [smem:$0x3FB6]  }
0x3d: {  	_ =	shalt  }
0x3e: {  	_ =	shalt  }
0x3f: {  	_ =	shalt  }
0x40: {  	_ =	shalt  }
0x41: {  	_ =	shalt  }
0x42: {  	_ =	shalt  }
0x43: {  	_ =	shalt  }
0x44: {  	_ =	shalt  }
0x45: {  	_ =	shalt  }
0x46: {  	_ =	shalt  }
0x47: {  	_ =	shalt  }
0x48: {  	_ =	shalt  }
0x49: {  	_ =	shalt  }
0x4a: {  	_ =	shalt  }
0x4b: {  	_ =	shalt  }
0x4c: {  	_ =	shalt  }
0x4d: {  	_ =	shalt  }
0x4e: {  	_ =	shalt  }
0x4f: {  	_ =	shalt  }
0x50: {  	_ =	shalt  }
0x51: {  	_ =	shalt  }
0x52: {  	_ =	shalt  }
0x53: {  	_ =	shalt  }
0x54: {  	_ =	shalt  }
0x55: {  	_ =	shalt  }
0x56: {  	_ =	shalt  }
0x57: {  	_ =	shalt  }
0x58: {  	_ =	shalt  }
0x59: {  	_ =	shalt  }
0x5a: {  	_ =	shalt  }
0x5b: {  	_ =	shalt  }
0x5c: {  	_ =	shalt  }
0x5d: {  	_ =	shalt  }
0x5e: {  	_ =	shalt  }
0x5f: {  	_ =	shalt  }
0x60: {  	_ =	shalt  }
0x61: {  	_ =	shalt  }
0x62: {  	_ =	shalt  }
0x63: {  	_ =	shalt  }
0x64: {  	_ =	shalt  }
0x65: {  	_ =	shalt  }
0x66: {  	_ =	shalt  }
0x67: {  	_ =	shalt  }
0x68: {  	_ =	shalt  }
0x69: {  	_ =	shalt  }
0x6a: {  	_ =	shalt  }
0x6b: {  	_ =	shalt  }
0x6c: {  	_ =	shalt  }
0x6d: {  	_ =	shalt  }
0x6e: {  	_ =	shalt  }
0x6f: {  	_ =	shalt  }
0x70: {  	_ =	shalt  }
0x71: {  	_ =	shalt  }
0x72: {  	_ =	shalt  }
0x73: {  	_ =	shalt  }
0x74: {  	_ =	shalt  }
0x75: {  	_ =	shalt  }
0x76: {  	_ =	shalt  }
0x77: {  	_ =	shalt  }
0x78: {  	_ =	shalt  }
0x79: {  	_ =	shalt  }
0x7a: {  	_ =	shalt  }
0x7b: {  	_ =	shalt  }
0x7c: {  	_ =	shalt  }
0x7d: {  	_ =	shalt  }
0x7e: {  	_ =	shalt  }
0x7f: {  	_ =	shalt  }
0x80: {  	_ =	shalt  }
0x81: {  	_ =	shalt  }
0x82: {  	_ =	shalt  }
0x83: {  	_ =	shalt  }
0x84: {  	_ =	shalt  }
0x85: {  	_ =	shalt  }
0x86: {  	_ =	shalt  }
0x87: {  	_ =	shalt  }
.Lfunc_end0:
.L_simem_size_0:
called_computation.1_lowered:
.L_overlay_start_0:
0x88: {  	s2 =	sld [smem:$0x3FD9]  }
0x89: {  	s3 =	sld [smem:$0x3FFE];
	_ =	sdelay $0x1  }
0x8a: {  	s1 =	srdreg.scid  }
0x8b: {  	s0 =	sand.u32 $0x1, s1  }
0x8c: {  	s17 =	sshll.u32 s0, $0xA;
	s2 =	sadd.s32 s3, s2  }
0x8d: {  	s2 =	sadd.s32 s2, s17  }
0x8e: {  	[smem:$0x3FC2] =	sst s2  }
0x8f: {  	_ = 	snop  }
0x90: {  	s2 =	sld [smem:$0x3FD0];
	(tm) =	ssettm $0x1  }
0x91: {  	s18 =	sld [smem:$0x3FFB];
	_ =	sdelay $0x3  }
0x92: {  	_ =	strace s18  }
0x93: {  	s3 =	sld [smem:$0x3FFC];
	_ =	sdelay $0x3  }
0x94: {  	_ =	strace s3  }
0x95: {  	s3 =	sld [smem:$0x3FFD];
	_ =	sdelay $0x3  }
0x96: {  	_ =	strace s3  }
0x97: {  	_ =	strace $0x8FFFFFFF  }
0x98: {  	s19 =	sld [smem:$0x3FDB];
	_ =	sdelay $0x1  }
0x99: {  	s4 =	simm.s32 $_scs_section_size  }
0x9a: {  	s5 =	simm.s32 $_size__tile_overlayer_lowered;
	s6 =	simm.s32 $_tile_overlayer_lowered  }
0x9b: {  	s22 =	simm.s32 $0x1BFF;
	s21 =	sshll.u32 s6, $0x1;
	s3 =	sadd.s32 s4, s19  }
0x9c: {  	s7 =	simm.s32 $0x0;
	s20 =	sshll.u32 s5, $0x1;
	s5 =	sadd.s32 s21, s3  }
0x9d: {  	[timem:s7], [sflag:s22] =	dma.local [hbm:s5], s20  }
0x9e: {  	_ =	swait.ge [sflag:s22], s20  }
0x9f: {  	s4 =	ssub.s32 $0x0, s20;
	[sflag:s22] =	ssyncset.done $0x0  }
0xa0: {  	[sflag:s22] =	ssyncadd.s32 s4;
	_ =	sdelay $0x1  }
0xa1: {  	s23 =	simm.s32 $0x1B8B  }
0xa2: {  	_ =	swait.ge [sflag:s23], $0x1  }
0xa3: {  	[sflag:s23] =	ssyncset.done $0x0  }
0xa4: {  	s25 =	simm.s32 $0x1B8E;
	s24 =	sld [smem:$0x3FFE];
	[sflag:s23] =	ssyncadd.s32 $0xFFFFFFFF  }
0xa5: {  	s26 =	simm.s32 $execute0_lowered;
	[smem:$0x3FD2] =	sst s25  }
0xa6: {  	s5 =	sshll.u32 s26, $0x1;
	_ =	strace $0x80000049;
	[dreg:$0x1] =	wrdreg $0xFFFFFFFF  }
0xa7: {  	s28 =	simm.s32 $_size_execute0_lowered;
	s3 =	sadd.s32 s3, s5;
	[dreg:$0x0] =	wrdreg $0x0  }
0xa8: {  	s5 =	sshll.u32 s28, $0x1;
	[dreg:$0x2] =	wrdreg s3  }
0xa9: {  	[dreg:$0x3] =	wrdreg s5  }
0xaa: {  	[dreg:$0x4] =	wrdreg $0xC0  }
0xab: {  	_ =	task [dreg:s7], $0x5FFFF  }
0xac: {  	[dreg:$0x1] =	wrdreg $0xFFFFFFFF  }
0xad: {  	[dreg:$0x0] =	wrdreg $0x60  }
0xae: {  	[dreg:$0x2] =	wrdreg s24  }
0xaf: {  	[dreg:$0x3] =	wrdreg s2  }
0xb0: {  	[dreg:$0x4] =	wrdreg $0x9  }
0xb1: {  	_ =	task.clear_ibuf [dreg:s7], $0x5FFFF;
	_ =	strace $0x90000049  }
0xb2: {  	s29 =	simm.s32 $0x9;
	_ =	strace $0x8000004B  }
0xb3: {  	_ =	swait.ge [sflag:s29], $0x1  }
0xb4: {  	[sflag:s29] =	ssyncadd.s32 $0xFFFFFFFF  }
0xb5: {  	_ =	strace $0x9000004B  }
0xb6: {  	_ =	sfence  }
0xb7: {  	s30 =	sld [smem:$0x0];
	_ =	sdelay $0x2  }
0xb8: {  	s31 =	sshll.u32 s1, $0xD;
	s1 =	sshrl.u32 s1, $0x2  }
0xb9: {  	s3 =	sand.u32 $0x4000, s31;
	s1 =	sadd.s32 s1, s30  }
0xba: {  	s0 =	sor.u32 s3, s0;
	s1 =	sshll.u32 s1, $0x11  }
0xbb: {  	s0 =	sor.u32 s1, s0  }
0xbc: {  	s0 =	sadd.s32 $0x8F2B, s0  }
0xbd: {  	[sflag:s0] =	ssyncadd.remote.s32 $0x1  }
0xbe: {  	_ =	sfence.sel $0xFFFF  }
0xbf: {  	[dreg:$0x0] =	wrdreg $0xFFFFFFFF;
	(pc) =	sbr.abs _section_cstart, $3  }
0xc0: {  	[dreg:$0x1] =	wrdreg $0xFFFFFFFF  }
0xc1: {  	_ =	task.clear_ibuf [dreg:s7], $0x2FFFF;
	_ =	strace $0x9FFFFFFF  }
0xc2: {  	(tm) =	ssettm $0x7FFFFFFF  }
0xc3: {  	_ =	shalt  }
tec
execute0_lowered:
.L_overlay_start_1:
0x0: {  	(tag) =	ssettag $0x1  }
0x1: {  	s0 =	rddreg [dreg:$0x0];
	s1 =	srdreg.scid;
	s3 =	simm.s32 $0x0  }
0x2: {  	s2 =	stileid.u32;
	s14 =	simm.s32 $0x4;
	s15 =	simm.s32 $0x1E00  }
0x3: {  	s16 =	simm.s32 $0x68;
	s17 =	simm.s32 $0x190;
	s18 =	simm.s32 $0x500  }
0x4: {  	s19 =	simm.s32 $0x5E;
	s20 =	simm.s32 $0x1F8;
	s21 =	simm.s32 $0xB80  }
0x5: {  	s22 =	simm.s32 $0x280;
	s23 =	simm.s32 $0x1;
	s24 =	simm.s32 $0x410  }
0x6: {  	s25 =	simm.s32 $0x1180;
	s26 =	simm.s32 $0x478;
	s28 =	simm.s32 $0x1800  }
0x7: {  	s29 =	simm.s32 $0x2;
	s30 =	simm.s32 $0x3;
	s31 =	simm.s32 $0x0  }
0x8: {  	s1 =	sand.u32 $0x1, s1;
	[smem:$0x7FF] =	sst s3;
	s2 =	sshll.u32 s2, $0x8  }
0x9: {  	s5 =	sadd.s32 $0xC00, s0;
	s4 =	sshll.u32 s1, $0x7;
	_ =	strace $0x8000004A  }
0xa: {  	s1 =	ssub.s32 $0x2, s1;
	s2 =	sor.u32 s4, s2;
	s4 =	sadd.s32 $0x1B4400, s0  }
0xb: {  	s8 =	sshrl.u32 s1, $0x1;
	s6 =	smul.u32 $0x50, s2;
	s7 =	sshll.u32 s2, $0x1  }
0xc: {  	s1 =	ssub.s32 s1, s8;
	s9 =	sor.u32 $0x2, s2;
	s10 =	sor.u32 $0x3, s2  }
0xd: {  	s0 =	sadd.s32 s7, s0;
	s12 =	smax.u32 s1, $0x1;
	s6 =	sadd.s32 s5, s6  }
0xe: {  	v0 =	vimm.f32 $0.0e+00;
	s7 =	sadd.s32 $0x50C00, s0;
	s11 =	sadd.s32 $0x52C00, s0;
	s8 =	sadd.s32 $0x50, s6  }
.LBB2_1:
0xf: {  	s0 =	rddreg [dreg:$0x1];
	s1 =	simm.s32 $0x2600  }
0x10: {  	[tilespmem:s1], [sflag:$0x4] =	stream.linear.gather [hbm4b:s0+s3], $0x10, $0x38;
	[tilespmem:$0x2610] =	vst v63  }
0x11: {  	_ =	swait.ge [sflag:s14], $0x10  }
0x12: {  	[sflag:s14] =	ssyncset.done $0x0  }
0x13: {  	[sflag:s14] =	ssyncadd.s32 $0xFFFFFFF0  }
0x14: {  	[tilespmem:$0x1160] =	vst v0  }
0x15: {  	[tilespmem:$0x1170] =	vst v0  }
0x16: {  	[tilespmem:$0x1DE0] =	vst v0  }
0x17: {  	[tilespmem:$0x1DF0] =	vst v0  }
0x18: {  	[tilespmem:s15], [sflag:$0x4] =	stream.linear.gather [hbm4b:s7+s3], $0x800, $0x38;
	[tilespmem:$0x2610] =	vst v63  }
0x19: {  	_ =	swait.ge [sflag:s14], $0x800  }
0x1a: {  	[sflag:s14] =	ssyncset.done $0x0  }
0x1b: {  	[sflag:s14] =	ssyncadd.s32 $0xFFFFF800  }
0x1c: {  	[tilespmem:s3], [sflag:$0x4] =	stream.linear.gather [hbm4b:s6+s3], $0x280, $0x38;
	[tilespmem:$0x2610] =	vst v63  }
0x1d: {  	_ =	swait.ge [sflag:s14], $0x280  }
0x1e: {  	[sflag:s14] =	ssyncset.done $0x0  }
0x1f: {  	[sflag:s14] =	ssyncadd.s32 $0xFFFFFD80  }
0x20: {  	[tilespmem:s18], [sflag:$0x2] =	stream.indirect.gather [hbm4b:s4+s16], $0x10, s17, s16, $0xb8;
	[tilespmem:$0x2610] =	vst v63  }
0x21: {  	_ = 	snop  }
0x22: {  	[tilespmem:s21], [sflag:$0x2] =	stream.indirect.gather [hbm4b:s4+s19], $0x10, s20, s19, $0xb8;
	[tilespmem:$0x2610] =	vst v63  }
0x23: {  	s0 =	simm.s32 $0x0  }
0x24: {  	[tilespmem:s22], [sflag:$0x1] =	stream.linear.gather [hbm4b:s8+s3], $0x280, $0x38;
	[tilespmem:$0x2610] =	vst v63  }
.LBB2_2:
0x25: {  	_ =	swait.ge [sflag:s23], $0x280  }
0x26: {  	[sflag:s23] =	ssyncset.done $0x0  }
0x27: {  	[sflag:s23] =	ssyncadd.s32 $0xFFFFFD80  }
0x28: {  	[tilespmem:s25], [sflag:$0x3] =	stream.indirect.gather [hbm4b:s4+s16], $0x10, s24, s16, $0xb8;
	[tilespmem:$0x2610] =	vst v63  }
0x29: {  	_ = 	snop  }
0x2a: {  	[tilespmem:s28], [sflag:$0x3] =	stream.indirect.gather [hbm4b:s4+s19], $0x10, s26, s19, $0xb8;
	[tilespmem:$0x2610] =	vst v63  }
0x2b: {  	s2 =	sshll.u32 s0, $0x1;
	_ =	swait.ge [sflag:s29], $0x680  }
0x2c: {  	s1 =	sadd.s32 s2, s9;
	[sflag:s29] =	ssyncset.done $0x0  }
0x2d: {  	s1 =	smin.u32 s1, $0xFFF;
	[sflag:s29] =	ssyncadd.s32 $0xFFFFF980  }
0x2e: {  	s1 =	smul.u32 $0x50, s1;
	_ =	swait.ge [sflag:s29], $0x5E0  }
0x2f: {  	[sflag:s29] =	ssyncset.done $0x0  }
0x30: {  	s13 =	simm.s32 $0x0;
	s1 =	sadd.s32 s5, s1;
	[sflag:s29] =	ssyncadd.s32 $0xFFFFFA20  }
0x31: {  	[tilespmem:s13], [sflag:$0x1] =	stream.linear.gather [hbm4b:s1+s13], $0x280, $0x38;
	[tilespmem:$0x2610] =	vst v63  }
0x32: {  	s13 =	simm.s32 $0x0  }
0x33: {  	v2 =	vld [tilespmem:s13+$0x530]  }
0x34: {  	v3 =	vld [tilespmem:s13+$0x500]  }
0x35: {  	v1 =	vimm.f32 $0.0e+00;
	v4 =	vld [tilespmem:s13+$0x510]  }
0x36: {  	v8 =	vimm.f32 $0.0e+00;
	v6 =	vimm.f32 $0.0e+00;
	v7 =	vimm.f32 $0.0e+00;
	s1 =	simm.s32 $0x100;
	v5 =	vld [tilespmem:s13+$0x520]  }
.LBB2_3:
0x37: {  	p0 =	sne.s32 s1, $0x3100  }
.Ltmp0:
0x38: {  	s13 =	sshra.s32 s1, $0x2;
	s1 =	sadd.s32 $0x100, s1;
	v1 =	vadd.f32 v2, v1;
	(pc) =	sbr.rel @p0 .LBB2_3-.Ltmp0, $4  }
0x39: {  	v2 =	vld [tilespmem:s13+$0x530];
	v8 =	vadd.f32 v3, v8  }
0x3a: {  	v3 =	vld [tilespmem:s13+$0x500];
	v6 =	vadd.f32 v4, v6  }
0x3b: {  	v4 =	vld [tilespmem:s13+$0x510];
	v7 =	vadd.f32 v5, v7  }
0x3c: {  	v5 =	vld [tilespmem:s13+$0x520]  }
0x3d: {  	_ =	sdelay $0x2  }
0x3e: {  	s1 =	sshll.u32 s0, $0x5;
	v1 =	vadd.f32 v2, v1;
	v2 =	vadd.f32 v3, v8  }
0x3f: {  	s1 =	sand.u32 $0x3FFFFFE0, s1;
	v3 =	vadd.f32 v4, v6;
	v4 =	vadd.f32 v5, v7  }
0x40: {  	v5 =	vld [tilespmem:s1+$0x1E00]  }
0x41: {  	v2 =	vadd.f32 v3, v2;
	v1 =	vadd.f32 v1, v4;
	_ =	sdelay $0x1  }
0x42: {  	v1 =	vadd.f32 v1, v2  }
0x43: {  	v2 =	vld [tilespmem:$0x2600]  }
0x44: {  	v1 =	vadd.f32 v5, v1;
	_ =	sdelay $0x1  }
0x45: {  	v1 =	vmul.f32 $1.675041860e-03, v1;
	_ =	sdelay $0x1  }
0x46: {  	v1 =	vadd.f32 v1, v2;
	_ =	sdelay $0x1  }
0x47: {  	[tilespmem:s1+$0x1E00] =	vst v1  }
0x48: {  	_ =	swait.ge [sflag:s23], $0x280  }
0x49: {  	[sflag:s23] =	ssyncset.done $0x0  }
0x4a: {  	[sflag:s23] =	ssyncadd.s32 $0xFFFFFD80  }
0x4b: {  	[tilespmem:s18], [sflag:$0x2] =	stream.indirect.gather [hbm4b:s4+s16], $0x10, s17, s16, $0xb8;
	[tilespmem:$0x2610] =	vst v63  }
0x4c: {  	_ = 	snop  }
0x4d: {  	[tilespmem:s21], [sflag:$0x2] =	stream.indirect.gather [hbm4b:s4+s19], $0x10, s20, s19, $0xb8;
	[tilespmem:$0x2610] =	vst v63  }
0x4e: {  	_ =	swait.ge [sflag:s30], $0x680  }
0x4f: {  	s2 =	sadd.s32 s2, s10;
	[sflag:s30] =	ssyncset.done $0x0  }
0x50: {  	s2 =	smin.u32 s2, $0xFFF;
	[sflag:s30] =	ssyncadd.s32 $0xFFFFF980  }
0x51: {  	s2 =	smul.u32 $0x50, s2;
	_ =	swait.ge [sflag:s30], $0x5E0  }
0x52: {  	[sflag:s30] =	ssyncset.done $0x0  }
0x53: {  	s13 =	simm.s32 $0x0;
	s2 =	sadd.s32 s5, s2;
	[sflag:s30] =	ssyncadd.s32 $0xFFFFFA20  }
0x54: {  	[tilespmem:s22], [sflag:$0x1] =	stream.linear.gather [hbm4b:s2+s13], $0x280, $0x38;
	[tilespmem:$0x2610] =	vst v63  }
0x55: {  	s13 =	simm.s32 $0x0  }
0x56: {  	v2 =	vld [tilespmem:s13+$0x11B0]  }
0x57: {  	v3 =	vld [tilespmem:s13+$0x1180]  }
0x58: {  	v8 =	vimm.f32 $0.0e+00;
	v4 =	vld [tilespmem:s13+$0x1190]  }
0x59: {  	v6 =	vimm.f32 $0.0e+00;
	v7 =	vimm.f32 $0.0e+00;
	v1 =	vimm.f32 $0.0e+00;
	s2 =	simm.s32 $0x100;
	v5 =	vld [tilespmem:s13+$0x11A0]  }
.LBB2_5:
0x5a: {  	p0 =	sne.s32 s2, $0x3100  }
.Ltmp1:
0x5b: {  	s13 =	sshra.s32 s2, $0x2;
	s2 =	sadd.s32 $0x100, s2;
	v1 =	vadd.f32 v2, v1;
	(pc) =	sbr.rel @p0 .LBB2_5-.Ltmp1, $4  }
0x5c: {  	v2 =	vld [tilespmem:s13+$0x11B0];
	v6 =	vadd.f32 v3, v6  }
0x5d: {  	v3 =	vld [tilespmem:s13+$0x1180];
	v7 =	vadd.f32 v4, v7  }
0x5e: {  	v4 =	vld [tilespmem:s13+$0x1190];
	v8 =	vadd.f32 v5, v8  }
0x5f: {  	v5 =	vld [tilespmem:s13+$0x11A0]  }
0x60: {  	_ =	sdelay $0x2  }
0x61: {  	v1 =	vadd.f32 v2, v1;
	v2 =	vadd.f32 v3, v6  }
0x62: {  	v3 =	vadd.f32 v4, v7;
	v62 =	vadd.f32 v5, v8  }
0x63: {  	v63 =	vld [tilespmem:s1+$0x1E10]  }
0x64: {  	v2 =	vadd.f32 v3, v2;
	v1 =	vadd.f32 v1, v62;
	_ =	sdelay $0x1  }
0x65: {  	v1 =	vadd.f32 v1, v2  }
0x66: {  	v2 =	vld [tilespmem:$0x2600]  }
0x67: {  	s0 =	sadd.s32 $0x1, s0;
	v1 =	vadd.f32 v63, v1  }
0x68: {  	p0 =	sne.s32 s0, $0x40  }
.Ltmp2:
0x69: {  	v1 =	vmul.f32 $1.675041860e-03, v1;
	(pc) =	sbr.rel @p0 .LBB2_2-.Ltmp2, $3  }
0x6a: {  	_ = 	snop  }
0x6b: {  	v1 =	vadd.f32 v1, v2;
	_ =	sdelay $0x1  }
0x6c: {  	[tilespmem:s1+$0x1E10] =	vst v1  }
0x6d: {  	_ =	swait.ge [sflag:s29], $0x680  }
0x6e: {  	[sflag:s29] =	ssyncset.done $0x0  }
0x6f: {  	[sflag:s29] =	ssyncadd.s32 $0xFFFFF980  }
0x70: {  	_ =	swait.ge [sflag:s29], $0x5E0  }
0x71: {  	[sflag:s29] =	ssyncset.done $0x0  }
0x72: {  	[sflag:s29] =	ssyncadd.s32 $0xFFFFFA20  }
0x73: {  	s31 =	sadd.s32 $0x1, s31;
	_ =	swait.ge [sflag:s23], $0x280  }
0x74: {  	p0 =	sne.s32 s31, s12;
	[sflag:s23] =	ssyncset.done $0x0  }
.Ltmp3:
0x75: {  	[sflag:s23] =	ssyncadd.s32 $0xFFFFFD80;
	(pc) =	sbr.rel @p0 .LBB2_1-.Ltmp3, $4  }
0x76: {  	[hbm4b:s11+s3] =	stream.linear.scatter [tilespmem:s15], [sflag:$0x4], $0x800, $0x38;
	[tilespmem:$0x2610] =	vst v63  }
0x77: {  	_ =	swait.ge [sflag:s14], $0x800  }
0x78: {  	[sflag:s14] =	ssyncset.done $0x0  }
0x79: {  	[sflag:s14] =	ssyncadd.s32 $0xFFFFF800  }
0x7a: {  	_ =	sfence.sel $0x180000  }
0x7b: {  	[bflag:$0x0] =	sbarrier.arrive $0xFFFF  }
0x7c: {  	_ =	strace $0x9000004A  }
0x7d: {  	s0 =	stileid.u32;
	[bflag:$0x2] =	sbarrier.arrive $0xFFFF  }
0x7e: {  	p0 =	sne.s32 s0, $0x0;
	s0 =	rddreg [dreg:$0x2]  }
0x7f: {  	s0 =	sadd.s32 @!p0 $0x100000, s0  }
0x80: {  	[sflag:s0] =	ssyncadd.tile.s32 @!p0 $0x1;
	_ =	shalt  }
.Lfunc_end2:
_tile_overlayer_lowered:
.L_overlay_start_2:
0x81: {  	(tag) =	ssettag $0x2  }
0x82: {  	s0 =	rddreg [dreg:$0x0];
	s2 =	stileid.u32  }
0x83: {  	s1 =	rddreg [dreg:$0x1];
	p0 =	sne.s32 s2, $0x0  }
0x84: {  	s3 =	rddreg [dreg:$0x2];
	[bflag:$0x3] =	sbarrier.arrive $0xFFFF;
	s2 =	simm.s32 @!p0 $0x1C04  }
0x85: {  	[timem:s3], [sflag:s2] =	dma.local @!p0 [hbm:s0], s1  }
0x86: {  	s0 =	simm.s32 @!p0 $0x4  }
0x87: {  	_ =	swait.ge @!p0 [sflag:s0], s1  }
0x88: {  	s1 =	ssub.s32 @!p0 $0x0, s1;
	[sflag:s0] =	ssyncset.done @!p0 $0x0  }
0x89: {  	[sflag:s0] =	ssyncadd.s32 @!p0 s1  }
0x8a: {  	[bflag:$0x3] =	sbarrier.arrive $0xFFFF  }
0x8b: {  	_ =	shalt  }

// kernel: kernel.7.cloned.1.call-start
scs
__scs_entry_jumppad:
0x0: {  	(pc) =	sbr.rel $0x88, $3  }
0x1: {  	(tag) =	ssettag $0x0;
	lr =	simm.s32 $0x1  }
0x2: {  	[smem:$0x3F9B] =	sst lr;
	_ =	strace $0xD0000000  }
0x3: {  	_ = 	snop  }
0x4: {  	_ = 	snop  }
0x5: {  	_ = 	snop  }
0x6: {  	_ = 	snop  }
0x7: {  	_ = 	snop  }
__scs_overlays_trampoline_lowered:
0x8: {  	[smem:$0x3FAA] =	sst s0  }
0x9: {  	[smem:$0x3FAB] =	sst s1  }
0xa: {  	[smem:$0x3FAC] =	sst s2  }
0xb: {  	[smem:$0x3FAD] =	sst s3  }
0xc: {  	[smem:$0x3FAE] =	sst s4  }
0xd: {  	[smem:$0x3FAF] =	sst s5  }
0xe: {  	[smem:$0x3FB0] =	sst s6  }
0xf: {  	[smem:$0x3FB1] =	sst s7  }
0x10: {  	[smem:$0x3FB2] =	sst s8  }
0x11: {  	[smem:$0x3FB3] =	sst s9;
	s0 =	simm.s32 @!p0 $0x0  }
0x12: {  	s1 =	sld [smem:$0x3F99];
	s0 =	simm.s32 @p0 $0x1  }
0x13: {  	[smem:$0x3FB4] =	sst s0;
	s0 =	simm.s32 @!p1 $0x0  }
0x14: {  	s2 =	sld [smem:$0x3F98];
	s0 =	simm.s32 @p1 $0x1  }
0x15: {  	[smem:$0x3FB5] =	sst s0;
	s0 =	simm.s32 @!p2 $0x0  }
0x16: {  	s3 =	sld [smem:$0x3FDB];
	s0 =	simm.s32 @p2 $0x1  }
0x17: {  	s4 =	simm.s32 $0x1BF5;
	[smem:$0x3FB7] =	sst s0  }
0x18: {  	s0 =	sld [smem:$0x3F9A];
	_ =	swait.ge [sflag:s4], $0x0  }
0x19: {  	s7 =	sld [smem:$0x3F9B]  }
0x1a: {  	s8 =	sadd.s32 $0xFFFFE003, lr  }
0x1b: {  	s9 =	sadd.s32 $0xFFFFFEF7, lr;
	s5 =	simm.s32 $0xFFFFFFFF;
	p2 =	slt.u32 s8, $0xFFFFF086  }
0x1c: {  	p1 =	slt.u32 s9, $0xF7A;
	s5 =	simm.s32 @!p2 $0x0  }
0x1d: {  	s5 =	simm.s32 @p1 $0x1;
	p0 =	seq.s32 s7, s2  }
0x1e: {  	s7 =	smul.u32 @!p0 $0xF7A, s2;
	p2 =	seq.s32 @!p0 s5, $0x0  }
0x1f: {  	s9 =	smul.u32 $0xF7A, s1;
	s8 =	simm.s32 @!p0 $0x1BF5;
	p2 =	por !p2, p0  }
0x20: {  	[sflag:s8] =	ssyncset.s32 @!p0 $0xFFFFF086;
	s6 =	sadd.s32 @!p0 s3, s7;
	s7 =	simm.s32 @!p0 $0x108  }
0x21: {  	s3 =	sadd.s32 s3, s9;
	s6 =	sadd.s32 @!p0 $0x88, s6;
	s7 =	simm.s32 @p2 $0x1082  }
0x22: {  	[simem:s7], [sflag:s8] =	dma.local @!p0 [hbm:s6], $0xF7A  }
0x23: {  	s9 =	sor.u32 $0xD0000000, s2;
	s6 =	simm.s32 $0x108;
	_ =	swait.ge @!p0 [sflag:s8], $0x0  }
0x24: {  	s3 =	sadd.s32 $0x88, s3;
	s6 =	simm.s32 @!p1 $0x1082;
	[sflag:s4] =	ssyncset.s32 $0xFFFFF086  }
0x25: {  	[simem:s6], [sflag:s4] =	dma.local [hbm:s3], $0xF7A  }
0x26: {  	[smem:$0x3F9B] =	sst s1;
	(tag) =	ssettag s2;
	_ =	strace s9  }
0x27: {  	s1 =	sld [smem:$0x3FAB]  }
0x28: {  	s2 =	sld [smem:$0x3FAC]  }
0x29: {  	s4 =	sld [smem:$0x3FAE]  }
0x2a: {  	p0 =	seq.s32 s5, $0x0;
	s5 =	sld [smem:$0x3FAF]  }
0x2b: {  	s6 =	sld [smem:$0x3FB0]  }
0x2c: {  	s7 =	sld [smem:$0x3FB1]  }
0x2d: {  	s3 =	simm.s32 $0x108;
	s8 =	sld [smem:$0x3FB2]  }
0x2e: {  	s3 =	simm.s32 @!p0 $0x1082;
	s9 =	sld [smem:$0x3FB3]  }
0x2f: {  	lr =	sadd.s32 s0, s3;
	s0 =	sld [smem:$0x3FAA]  }
0x30: {  	s3 =	sld [smem:$0x3FAD]  }
0x31: {  	[smem:$0x3FB6] =	sst s10  }
0x32: {  	s10 =	sld [smem:$0x3FB4];
	_ =	sdelay $0x3  }
0x33: {  	p0 =	seq.s32 s10, $0x1;
	s10 =	sld [smem:$0x3FB6];
	_ =	sdelay $0x3  }
0x34: {  	[smem:$0x3FB6] =	sst s10  }
0x35: {  	s10 =	sld [smem:$0x3FB5];
	_ =	sdelay $0x3  }
0x36: {  	p1 =	seq.s32 s10, $0x1;
	s10 =	sld [smem:$0x3FB6];
	_ =	sdelay $0x3  }
0x37: {  	[smem:$0x3FB6] =	sst s10  }
0x38: {  	s10 =	sld [smem:$0x3FB7]  }
0x39: {  	_ = 	snop;
	(pc) =	sbr.ind lr, $3  }
0x3a: {  	_ = 	snop  }
0x3b: {  	_ = 	snop  }
0x3c: {  	p2 =	seq.s32 s10, $0x1;
	s10 =	sld [smem:$0x3FB6]  }
0x3d: {  	_ =	shalt  }
0x3e: {  	_ =	shalt  }
0x3f: {  	_ =	shalt  }
0x40: {  	_ =	shalt  }
0x41: {  	_ =	shalt  }
0x42: {  	_ =	shalt  }
0x43: {  	_ =	shalt  }
0x44: {  	_ =	shalt  }
0x45: {  	_ =	shalt  }
0x46: {  	_ =	shalt  }
0x47: {  	_ =	shalt  }
0x48: {  	_ =	shalt  }
0x49: {  	_ =	shalt  }
0x4a: {  	_ =	shalt  }
0x4b: {  	_ =	shalt  }
0x4c: {  	_ =	shalt  }
0x4d: {  	_ =	shalt  }
0x4e: {  	_ =	shalt  }
0x4f: {  	_ =	shalt  }
0x50: {  	_ =	shalt  }
0x51: {  	_ =	shalt  }
0x52: {  	_ =	shalt  }
0x53: {  	_ =	shalt  }
0x54: {  	_ =	shalt  }
0x55: {  	_ =	shalt  }
0x56: {  	_ =	shalt  }
0x57: {  	_ =	shalt  }
0x58: {  	_ =	shalt  }
0x59: {  	_ =	shalt  }
0x5a: {  	_ =	shalt  }
0x5b: {  	_ =	shalt  }
0x5c: {  	_ =	shalt  }
0x5d: {  	_ =	shalt  }
0x5e: {  	_ =	shalt  }
0x5f: {  	_ =	shalt  }
0x60: {  	_ =	shalt  }
0x61: {  	_ =	shalt  }
0x62: {  	_ =	shalt  }
0x63: {  	_ =	shalt  }
0x64: {  	_ =	shalt  }
0x65: {  	_ =	shalt  }
0x66: {  	_ =	shalt  }
0x67: {  	_ =	shalt  }
0x68: {  	_ =	shalt  }
0x69: {  	_ =	shalt  }
0x6a: {  	_ =	shalt  }
0x6b: {  	_ =	shalt  }
0x6c: {  	_ =	shalt  }
0x6d: {  	_ =	shalt  }
0x6e: {  	_ =	shalt  }
0x6f: {  	_ =	shalt  }
0x70: {  	_ =	shalt  }
0x71: {  	_ =	shalt  }
0x72: {  	_ =	shalt  }
0x73: {  	_ =	shalt  }
0x74: {  	_ =	shalt  }
0x75: {  	_ =	shalt  }
0x76: {  	_ =	shalt  }
0x77: {  	_ =	shalt  }
0x78: {  	_ =	shalt  }
0x79: {  	_ =	shalt  }
0x7a: {  	_ =	shalt  }
0x7b: {  	_ =	shalt  }
0x7c: {  	_ =	shalt  }
0x7d: {  	_ =	shalt  }
0x7e: {  	_ =	shalt  }
0x7f: {  	_ =	shalt  }
0x80: {  	_ =	shalt  }
0x81: {  	_ =	shalt  }
0x82: {  	_ =	shalt  }
0x83: {  	_ =	shalt  }
0x84: {  	_ =	shalt  }
0x85: {  	_ =	shalt  }
0x86: {  	_ =	shalt  }
0x87: {  	_ =	shalt  }
.Lfunc_end0:
.L_simem_size_0:
called_computation_lowered:
.L_overlay_start_0:
0x88: {  	s2 =	sld [smem:$0x3FD9]  }
0x89: {  	s3 =	sld [smem:$0x3FFE];
	_ =	sdelay $0x1  }
0x8a: {  	s1 =	srdreg.scid  }
0x8b: {  	s0 =	sand.u32 $0x1, s1  }
0x8c: {  	s16 =	sshll.u32 s0, $0xA;
	s2 =	sadd.s32 s3, s2  }
0x8d: {  	s2 =	sadd.s32 s2, s16  }
0x8e: {  	[smem:$0x3FC2] =	sst s2  }
0x8f: {  	_ = 	snop  }
0x90: {  	(tm) =	ssettm $0x1  }
0x91: {  	s17 =	sld [smem:$0x3FFB];
	_ =	sdelay $0x3  }
0x92: {  	_ =	strace s17  }
0x93: {  	s2 =	sld [smem:$0x3FFC];
	_ =	sdelay $0x3  }
0x94: {  	_ =	strace s2  }
0x95: {  	s2 =	sld [smem:$0x3FFD];
	_ =	sdelay $0x3  }
0x96: {  	_ =	strace s2  }
0x97: {  	_ =	strace $0x8FFFFFFF  }
0x98: {  	s18 =	sld [smem:$0x3FDB];
	_ =	sdelay $0x1  }
0x99: {  	s19 =	simm.s32 $_scs_section_size  }
0x9a: {  	s4 =	simm.s32 $_size__tile_overlayer_lowered;
	s5 =	simm.s32 $_tile_overlayer_lowered  }
0x9b: {  	s22 =	simm.s32 $0x1BFF;
	s21 =	sshll.u32 s5, $0x1;
	s2 =	sadd.s32 s19, s18  }
0x9c: {  	s6 =	simm.s32 $0x0;
	s20 =	sshll.u32 s4, $0x1;
	s4 =	sadd.s32 s21, s2  }
0x9d: {  	[timem:s6], [sflag:s22] =	dma.local [hbm:s4], s20  }
0x9e: {  	_ =	swait.ge [sflag:s22], s20  }
0x9f: {  	s3 =	ssub.s32 $0x0, s20;
	[sflag:s22] =	ssyncset.done $0x0  }
0xa0: {  	[sflag:s22] =	ssyncadd.s32 s3;
	_ =	sdelay $0x1  }
0xa1: {  	s23 =	simm.s32 $0x1B8B  }
0xa2: {  	_ =	swait.ge [sflag:s23], $0x1  }
0xa3: {  	[sflag:s23] =	ssyncset.done $0x0  }
0xa4: {  	s25 =	simm.s32 $0x1B8E;
	s24 =	sld [smem:$0x3FFE];
	[sflag:s23] =	ssyncadd.s32 $0xFFFFFFFF  }
0xa5: {  	s26 =	simm.s32 $execute0_lowered;
	[smem:$0x3FD2] =	sst s25  }
0xa6: {  	s4 =	sshll.u32 s26, $0x1;
	_ =	strace $0x80000046;
	[dreg:$0x1] =	wrdreg $0xFFFFFFFF  }
0xa7: {  	s28 =	simm.s32 $_size_execute0_lowered;
	s2 =	sadd.s32 s2, s4;
	[dreg:$0x0] =	wrdreg $0x0  }
0xa8: {  	s4 =	sshll.u32 s28, $0x1;
	[dreg:$0x2] =	wrdreg s2  }
0xa9: {  	[dreg:$0x3] =	wrdreg s4  }
0xaa: {  	[dreg:$0x4] =	wrdreg $0xC0  }
0xab: {  	_ =	task [dreg:s6], $0x5FFFF  }
0xac: {  	[dreg:$0x1] =	wrdreg $0xFFFFFFFF  }
0xad: {  	[dreg:$0x0] =	wrdreg $0x60  }
0xae: {  	[dreg:$0x2] =	wrdreg s24  }
0xaf: {  	[dreg:$0x3] =	wrdreg $0x9  }
0xb0: {  	_ =	task.clear_ibuf [dreg:s6], $0x4FFFF;
	_ =	strace $0x90000046  }
0xb1: {  	s29 =	simm.s32 $0x9;
	_ =	strace $0x80000048  }
0xb2: {  	_ =	swait.ge [sflag:s29], $0x1  }
0xb3: {  	[sflag:s29] =	ssyncadd.s32 $0xFFFFFFFF  }
0xb4: {  	_ =	strace $0x90000048  }
0xb5: {  	_ =	sfence  }
0xb6: {  	s30 =	sld [smem:$0x0];
	_ =	sdelay $0x2  }
0xb7: {  	s31 =	sshll.u32 s1, $0xD;
	s1 =	sshrl.u32 s1, $0x2  }
0xb8: {  	s3 =	sand.u32 $0x4000, s31;
	s1 =	sadd.s32 s1, s30  }
0xb9: {  	s0 =	sor.u32 s3, s0;
	s1 =	sshll.u32 s1, $0x11  }
0xba: {  	s0 =	sor.u32 s1, s0  }
0xbb: {  	s0 =	sadd.s32 $0x8F2B, s0  }
0xbc: {  	[sflag:s0] =	ssyncadd.remote.s32 $0x1  }
0xbd: {  	_ =	sfence.sel $0xFFFF  }
0xbe: {  	[dreg:$0x0] =	wrdreg $0xFFFFFFFF;
	(pc) =	sbr.abs _section_cstart, $3  }
0xbf: {  	[dreg:$0x1] =	wrdreg $0xFFFFFFFF  }
0xc0: {  	_ =	task.clear_ibuf [dreg:s6], $0x2FFFF;
	_ =	strace $0x9FFFFFFF  }
0xc1: {  	(tm) =	ssettm $0x7FFFFFFF  }
tec
execute0_lowered:
.L_overlay_start_1:
0x0: {  	(tag) =	ssettag $0x1  }
0x1: {  	s0 =	rddreg [dreg:$0x0];
	s2 =	simm.s32 $0x0  }
0x2: {  	s1 =	srdreg.scid;
	s4 =	stileid.u32;
	s11 =	simm.s32 $0x4  }
0x3: {  	s12 =	simm.s32 $0x80;
	s13 =	simm.s32 $0x500;
	s14 =	simm.s32 $0xD00  }
0x4: {  	s15 =	simm.s32 $0x100;
	s16 =	simm.s32 $0x1500;
	s17 =	simm.s32 $0x10  }
0x5: {  	s18 =	simm.s32 $0x180;
	s19 =	simm.s32 $0x1D00;
	s20 =	simm.s32 $0x280  }
0x6: {  	s21 =	simm.s32 $0x1;
	s22 =	simm.s32 $0x1E00;
	s23 =	simm.s32 $0x300  }
0x7: {  	s28 =	simm.s32 $0x400;
	s29 =	simm.s32 $0x3600;
	s30 =	simm.s32 $0x2  }
0x8: {  	s31 =	simm.s32 $0x3;
	[smem:$0x7FF] =	sst s2;
	s3 =	sadd.s32 $0x18CC00, s0  }
0x9: {  	s1 =	sand.u32 $0x1, s1;
	s5 =	sshll.u32 s4, $0x1;
	s4 =	sadd.s32 $0xC00, s0  }
0xa: {  	_ =	strace $0x80000047;
	s5 =	sor.u32 s1, s5;
	s1 =	ssub.s32 $0x2, s1  }
0xb: {  	s6 =	sshll.u32 s5, $0x8;
	s7 =	sshrl.u32 s1, $0x1;
	s8 =	smul.u32 $0x2800, s5  }
0xc: {  	s24 =	sand.u32 $0x7, s5;
	s9 =	sshll.u32 s5, $0x7;
	s0 =	sadd.s32 s6, s0  }
0xd: {  	s1 =	ssub.s32 s1, s7;
	s6 =	smul.u32 $0x2780, s24;
	s7 =	sor.u32 $0x2, s9  }
0xe: {  	s24 =	simm.s32 $0x2600;
	s5 =	sadd.s32 s4, s8;
	s0 =	sadd.s32 $0x50C00, s0  }
0xf: {  	s8 =	sor.u32 $0x3, s9;
	s26 =	smax.u32 s1, $0x1;
	[dreg:$0x3] =	wrdreg s0  }
0x10: {  	s1 =	simm.s32 $0x0;
	s25 =	sadd.s32 $0x50, s5;
	[dreg:$0x4] =	wrdreg s26  }
0x11: {  	s26 =	simm.s32 $0x2E00;
	v0 =	vmov s6;
	[dreg:$0x2] =	wrdreg s25;
	s25 =	simm.s32 $0x380  }
.LBB2_1:
0x12: {  	[tilespmem:s2], [sflag:$0x4] =	stream.linear.gather [hbm4b:s5+s2], $0x280, $0x38;
	[tilespmem:$0x3F00] =	vst v63  }
0x13: {  	_ =	swait.ge [sflag:s11], $0x280  }
0x14: {  	[sflag:s11] =	ssyncset.done $0x0  }
0x15: {  	[sflag:s11] =	ssyncadd.s32 $0xFFFFFD80  }
0x16: {  	v1 =	vld [tilespmem:$0x0]  }
0x17: {  	v2 =	vld [tilespmem:$0x10]  }
0x18: {  	v3 =	vld [tilespmem:$0x20]  }
0x19: {  	v4 =	vld [tilespmem:$0x30]  }
0x1a: {  	v5 =	vld [tilespmem:$0x40]  }
0x1b: {  	v6 =	vld [tilespmem:$0x50];
	v1 =	vadd.s32 v0, v1  }
0x1c: {  	[tilespmem:$0x0] =	vst v1;
	v1 =	vadd.s32 v0, v2;
	v2 =	vld [tilespmem:$0x60]  }
0x1d: {  	[tilespmem:$0x10] =	vst v1;
	v1 =	vadd.s32 v0, v3;
	v3 =	vld [tilespmem:$0x70]  }
0x1e: {  	v53 =	vld [tilespmem:$0x80];
	[tilespmem:$0x20] =	vst v1;
	v1 =	vadd.s32 v0, v4  }
0x1f: {  	v54 =	vld [tilespmem:$0x90];
	[tilespmem:$0x30] =	vst v1;
	v1 =	vadd.s32 v0, v5  }
0x20: {  	v55 =	vld [tilespmem:$0xA0];
	[tilespmem:$0x40] =	vst v1;
	v1 =	vadd.s32 v0, v6  }
0x21: {  	[tilespmem:$0x50] =	vst v1;
	v1 =	vadd.s32 v0, v2;
	v2 =	vld [tilespmem:$0xB0]  }
0x22: {  	[tilespmem:$0x60] =	vst v1;
	v1 =	vadd.s32 v0, v3;
	v3 =	vld [tilespmem:$0xC0]  }
0x23: {  	v56 =	vld [tilespmem:$0xD0];
	[tilespmem:$0x70] =	vst v1;
	v1 =	vadd.s32 v0, v53  }
0x24: {  	v57 =	vld [tilespmem:$0xE0];
	[tilespmem:$0x80] =	vst v1;
	v1 =	vadd.s32 v0, v54  }
0x25: {  	v58 =	vld [tilespmem:$0xF0];
	[tilespmem:$0x90] =	vst v1;
	v1 =	vadd.s32 v0, v55  }
0x26: {  	[tilespmem:$0xA0] =	vst v1;
	v1 =	vadd.s32 v0, v2;
	v2 =	vld [tilespmem:$0x100]  }
0x27: {  	[tilespmem:$0xB0] =	vst v1;
	v1 =	vadd.s32 v0, v3;
	v3 =	vld [tilespmem:$0x110]  }
0x28: {  	v59 =	vld [tilespmem:$0x120];
	[tilespmem:$0xC0] =	vst v1;
	v1 =	vadd.s32 v0, v56  }
0x29: {  	v60 =	vld [tilespmem:$0x130];
	[tilespmem:$0xD0] =	vst v1;
	v1 =	vadd.s32 v0, v57  }
0x2a: {  	v61 =	vld [tilespmem:$0x140];
	[tilespmem:$0xE0] =	vst v1;
	v1 =	vadd.s32 v0, v58  }
0x2b: {  	[tilespmem:$0xF0] =	vst v1;
	v1 =	vadd.s32 v0, v2;
	v2 =	vld [tilespmem:$0x150]  }
0x2c: {  	[tilespmem:$0x100] =	vst v1;
	v1 =	vadd.s32 v0, v3;
	v3 =	vld [tilespmem:$0x160]  }
0x2d: {  	v62 =	vld [tilespmem:$0x170];
	[tilespmem:$0x110] =	vst v1;
	v1 =	vadd.s32 v0, v59  }
0x2e: {  	v63 =	vld [tilespmem:$0x180];
	[tilespmem:$0x120] =	vst v1;
	v1 =	vadd.s32 v0, v60  }
0x2f: {  	[tilespmem:$0x130] =	vst v1;
	v1 =	vadd.s32 v0, v61  }
0x30: {  	[tilespmem:$0x140] =	vst v1;
	v1 =	vadd.s32 v0, v2  }
0x31: {  	[tilespmem:$0x150] =	vst v1;
	v1 =	vadd.s32 v0, v3  }
0x32: {  	[tilespmem:$0x160] =	vst v1;
	v1 =	vadd.s32 v0, v62  }
0x33: {  	[tilespmem:$0x170] =	vst v1;
	v1 =	vadd.s32 v0, v63  }
0x34: {  	[tilespmem:$0x180] =	vst v1  }
0x35: {  	[tilespmem:s13], [sflag:$0x2] =	stream.indirect.gather [hbm4b:s3+s12], $0x10, s2, s12, $0xb8;
	[tilespmem:$0x3F00] =	vst v63  }
0x36: {  	_ = 	snop  }
0x37: {  	[tilespmem:s14], [sflag:$0x2] =	stream.indirect.gather [hbm4b:s3+s12], $0x10, s12, s12, $0xb8;
	[tilespmem:$0x3F00] =	vst v63  }
0x38: {  	_ = 	snop  }
0x39: {  	[tilespmem:s16], [sflag:$0x2] =	stream.indirect.gather [hbm4b:s3+s12], $0x10, s15, s12, $0xb8;
	[tilespmem:$0x3F00] =	vst v63  }
0x3a: {  	_ = 	snop  }
0x3b: {  	[tilespmem:s19], [sflag:$0x2] =	stream.indirect.gather [hbm4b:s3+s17], $0x10, s18, s17, $0xb8;
	[tilespmem:$0x3F00] =	vst v63  }
0x3c: {  	s0 =	rddreg [dreg:$0x2]  }
0x3d: {  	[tilespmem:s20], [sflag:$0x1] =	stream.linear.gather [hbm4b:s0+s2], $0x280, $0x38;
	[tilespmem:$0x3F00] =	vst v63  }
0x3e: {  	s0 =	simm.s32 $0x0  }
.LBB2_2:
0x3f: {  	_ =	swait.ge [sflag:s21], $0x280  }
0x40: {  	[sflag:s21] =	ssyncset.done $0x0  }
0x41: {  	[sflag:s21] =	ssyncadd.s32 $0xFFFFFD80  }
0x42: {  	v1 =	vld [tilespmem:$0x280]  }
0x43: {  	v2 =	vld [tilespmem:$0x290]  }
0x44: {  	v3 =	vld [tilespmem:$0x2A0]  }
0x45: {  	v4 =	vld [tilespmem:$0x2B0]  }
0x46: {  	v5 =	vld [tilespmem:$0x2C0]  }
0x47: {  	v6 =	vld [tilespmem:$0x2D0];
	v1 =	vadd.s32 v0, v1  }
0x48: {  	[tilespmem:$0x280] =	vst v1;
	v1 =	vadd.s32 v0, v2;
	v2 =	vld [tilespmem:$0x2E0]  }
0x49: {  	[tilespmem:$0x290] =	vst v1;
	v1 =	vadd.s32 v0, v3;
	v3 =	vld [tilespmem:$0x2F0]  }
0x4a: {  	[tilespmem:$0x2A0] =	vst v1;
	v1 =	vadd.s32 v0, v4;
	v4 =	vld [tilespmem:$0x300]  }
0x4b: {  	[tilespmem:$0x2B0] =	vst v1;
	v1 =	vadd.s32 v0, v5;
	v5 =	vld [tilespmem:$0x310]  }
0x4c: {  	[tilespmem:$0x2C0] =	vst v1;
	v1 =	vadd.s32 v0, v6;
	v6 =	vld [tilespmem:$0x320]  }
0x4d: {  	[tilespmem:$0x2D0] =	vst v1;
	v1 =	vadd.s32 v0, v2;
	v2 =	vld [tilespmem:$0x330]  }
0x4e: {  	[tilespmem:$0x2E0] =	vst v1;
	v1 =	vadd.s32 v0, v3;
	v3 =	vld [tilespmem:$0x340]  }
0x4f: {  	[tilespmem:$0x2F0] =	vst v1;
	v1 =	vadd.s32 v0, v4;
	v4 =	vld [tilespmem:$0x350]  }
0x50: {  	[tilespmem:$0x300] =	vst v1;
	v1 =	vadd.s32 v0, v5;
	v5 =	vld [tilespmem:$0x360]  }
0x51: {  	[tilespmem:$0x310] =	vst v1;
	v1 =	vadd.s32 v0, v6;
	v6 =	vld [tilespmem:$0x370]  }
0x52: {  	[tilespmem:$0x320] =	vst v1;
	v1 =	vadd.s32 v0, v2;
	v2 =	vld [tilespmem:$0x380]  }
0x53: {  	[tilespmem:$0x330] =	vst v1;
	v1 =	vadd.s32 v0, v3;
	v3 =	vld [tilespmem:$0x390]  }
0x54: {  	[tilespmem:$0x340] =	vst v1;
	v1 =	vadd.s32 v0, v4;
	v4 =	vld [tilespmem:$0x3A0]  }
0x55: {  	[tilespmem:$0x350] =	vst v1;
	v1 =	vadd.s32 v0, v5;
	v5 =	vld [tilespmem:$0x3B0]  }
0x56: {  	[tilespmem:$0x360] =	vst v1;
	v1 =	vadd.s32 v0, v6;
	v6 =	vld [tilespmem:$0x3C0]  }
0x57: {  	[tilespmem:$0x370] =	vst v1;
	v1 =	vadd.s32 v0, v2;
	v2 =	vld [tilespmem:$0x3D0]  }
0x58: {  	[tilespmem:$0x380] =	vst v1;
	v1 =	vadd.s32 v0, v3;
	v3 =	vld [tilespmem:$0x3E0]  }
0x59: {  	[tilespmem:$0x390] =	vst v1;
	v1 =	vadd.s32 v0, v4;
	v4 =	vld [tilespmem:$0x3F0]  }
0x5a: {  	[tilespmem:$0x3A0] =	vst v1;
	v1 =	vadd.s32 v0, v5;
	v5 =	vld [tilespmem:$0x400]  }
0x5b: {  	[tilespmem:$0x3B0] =	vst v1;
	v1 =	vadd.s32 v0, v6  }
0x5c: {  	[tilespmem:$0x3C0] =	vst v1;
	v1 =	vadd.s32 v0, v2  }
0x5d: {  	[tilespmem:$0x3D0] =	vst v1;
	v1 =	vadd.s32 v0, v3  }
0x5e: {  	[tilespmem:$0x3E0] =	vst v1;
	v1 =	vadd.s32 v0, v4  }
0x5f: {  	[tilespmem:$0x3F0] =	vst v1;
	v1 =	vadd.s32 v0, v5  }
0x60: {  	[tilespmem:$0x400] =	vst v1  }
0x61: {  	[tilespmem:s22], [sflag:$0x3] =	stream.indirect.gather [hbm4b:s3+s12], $0x10, s20, s12, $0xb8;
	[tilespmem:$0x3F00] =	vst v63  }
0x62: {  	_ = 	snop  }
0x63: {  	[tilespmem:s24], [sflag:$0x3] =	stream.indirect.gather [hbm4b:s3+s12], $0x10, s23, s12, $0xb8;
	[tilespmem:$0x3F00] =	vst v63  }
0x64: {  	_ = 	snop  }
0x65: {  	[tilespmem:s26], [sflag:$0x3] =	stream.indirect.gather [hbm4b:s3+s12], $0x10, s25, s12, $0xb8;
	[tilespmem:$0x3F00] =	vst v63  }
0x66: {  	_ = 	snop  }
0x67: {  	[tilespmem:s29], [sflag:$0x3] =	stream.indirect.gather [hbm4b:s3+s17], $0x10, s28, s17, $0xb8;
	[tilespmem:$0x3F00] =	vst v63  }
0x68: {  	_ =	swait.ge [sflag:s30], $0x800  }
0x69: {  	[sflag:s30] =	ssyncset.done $0x0  }
0x6a: {  	[sflag:s30] =	ssyncadd.s32 $0xFFFFF800  }
0x6b: {  	_ =	swait.ge [sflag:s30], $0x800  }
0x6c: {  	[sflag:s30] =	ssyncset.done $0x0  }
0x6d: {  	[sflag:s30] =	ssyncadd.s32 $0xFFFFF800  }
0x6e: {  	s6 =	sshll.u32 s0, $0x1;
	_ =	swait.ge [sflag:s30], $0x800  }
0x6f: {  	s9 =	sadd.s32 s6, s7;
	[sflag:s30] =	ssyncset.done $0x0  }
0x70: {  	s9 =	smin.u32 s9, $0xFFF;
	[sflag:s30] =	ssyncadd.s32 $0xFFFFF800  }
0x71: {  	s9 =	smul.u32 $0x50, s9;
	_ =	swait.ge [sflag:s30], $0x100  }
0x72: {  	[sflag:s30] =	ssyncset.done $0x0  }
0x73: {  	s10 =	simm.s32 $0x0;
	s9 =	sadd.s32 s4, s9;
	[sflag:s30] =	ssyncadd.s32 $0xFFFFFF00  }
0x74: {  	[tilespmem:s10], [sflag:$0x1] =	stream.linear.gather [hbm4b:s9+s10], $0x280, $0x38;
	[tilespmem:$0x3F00] =	vst v63  }
0x75: {  	s10 =	simm.s32 $0x0  }
0x76: {  	v2 =	vld [tilespmem:s10+$0x530]  }
0x77: {  	v3 =	vld [tilespmem:s10+$0x500]  }
0x78: {  	v7 =	vimm.f32 $0.0e+00;
	v4 =	vld [tilespmem:s10+$0x510]  }
0x79: {  	v8 =	vimm.f32 $0.0e+00;
	v6 =	vimm.f32 $0.0e+00;
	v1 =	vimm.f32 $0.0e+00;
	s9 =	simm.s32 $0x100;
	v5 =	vld [tilespmem:s10+$0x520]  }
.LBB2_3:
0x7a: {  	p0 =	sne.s32 s9, $0x6300  }
.Ltmp0:
0x7b: {  	s10 =	sshra.s32 s9, $0x2;
	s9 =	sadd.s32 $0x100, s9;
	v1 =	vadd.f32 v2, v1;
	(pc) =	sbr.rel @p0 .LBB2_3-.Ltmp0, $4  }
0x7c: {  	v2 =	vld [tilespmem:s10+$0x530];
	v6 =	vadd.f32 v3, v6  }
0x7d: {  	v3 =	vld [tilespmem:s10+$0x500];
	v7 =	vadd.f32 v4, v7  }
0x7e: {  	v4 =	vld [tilespmem:s10+$0x510];
	v8 =	vadd.f32 v5, v8  }
0x7f: {  	v5 =	vld [tilespmem:s10+$0x520]  }
0x80: {  	_ =	sdelay $0x2  }
0x81: {  	v1 =	vadd.f32 v2, v1;
	v2 =	vadd.f32 v3, v6  }
0x82: {  	v3 =	vadd.f32 v4, v7;
	v4 =	vadd.f32 v5, v8;
	_ =	sdelay $0x1  }
0x83: {  	v2 =	vadd.f32 v3, v2;
	v1 =	vadd.f32 v1, v4;
	_ =	sdelay $0x1  }
0x84: {  	s9 =	sshll.u32 s0, $0x5;
	v1 =	vadd.f32 v1, v2  }
0x85: {  	s9 =	sand.u32 $0x3FFFFFE0, s9  }
0x86: {  	[tilespmem:s9+$0x3700] =	vst v1  }
0x87: {  	_ =	swait.ge [sflag:s21], $0x280  }
0x88: {  	[sflag:s21] =	ssyncset.done $0x0  }
0x89: {  	[sflag:s21] =	ssyncadd.s32 $0xFFFFFD80  }
0x8a: {  	v1 =	vld [tilespmem:$0x0]  }
0x8b: {  	v2 =	vld [tilespmem:$0x10]  }
0x8c: {  	v3 =	vld [tilespmem:$0x20]  }
0x8d: {  	v4 =	vld [tilespmem:$0x30]  }
0x8e: {  	v5 =	vld [tilespmem:$0x40]  }
0x8f: {  	v6 =	vld [tilespmem:$0x50];
	v1 =	vadd.s32 v0, v1  }
0x90: {  	[tilespmem:$0x0] =	vst v1;
	v1 =	vadd.s32 v0, v2;
	v2 =	vld [tilespmem:$0x60]  }
0x91: {  	[tilespmem:$0x10] =	vst v1;
	v1 =	vadd.s32 v0, v3;
	v3 =	vld [tilespmem:$0x70]  }
0x92: {  	[tilespmem:$0x20] =	vst v1;
	v1 =	vadd.s32 v0, v4;
	v4 =	vld [tilespmem:$0x80]  }
0x93: {  	[tilespmem:$0x30] =	vst v1;
	v1 =	vadd.s32 v0, v5;
	v5 =	vld [tilespmem:$0x90]  }
0x94: {  	[tilespmem:$0x40] =	vst v1;
	v1 =	vadd.s32 v0, v6;
	v6 =	vld [tilespmem:$0xA0]  }
0x95: {  	[tilespmem:$0x50] =	vst v1;
	v1 =	vadd.s32 v0, v2;
	v2 =	vld [tilespmem:$0xB0]  }
0x96: {  	[tilespmem:$0x60] =	vst v1;
	v1 =	vadd.s32 v0, v3;
	v3 =	vld [tilespmem:$0xC0]  }
0x97: {  	[tilespmem:$0x70] =	vst v1;
	v1 =	vadd.s32 v0, v4;
	v4 =	vld [tilespmem:$0xD0]  }
0x98: {  	[tilespmem:$0x80] =	vst v1;
	v1 =	vadd.s32 v0, v5;
	v5 =	vld [tilespmem:$0xE0]  }
0x99: {  	[tilespmem:$0x90] =	vst v1;
	v1 =	vadd.s32 v0, v6;
	v6 =	vld [tilespmem:$0xF0]  }
0x9a: {  	[tilespmem:$0xA0] =	vst v1;
	v1 =	vadd.s32 v0, v2;
	v2 =	vld [tilespmem:$0x100]  }
0x9b: {  	[tilespmem:$0xB0] =	vst v1;
	v1 =	vadd.s32 v0, v3;
	v3 =	vld [tilespmem:$0x110]  }
0x9c: {  	[tilespmem:$0xC0] =	vst v1;
	v1 =	vadd.s32 v0, v4;
	v4 =	vld [tilespmem:$0x120]  }
0x9d: {  	[tilespmem:$0xD0] =	vst v1;
	v1 =	vadd.s32 v0, v5;
	v5 =	vld [tilespmem:$0x130]  }
0x9e: {  	[tilespmem:$0xE0] =	vst v1;
	v1 =	vadd.s32 v0, v6;
	v6 =	vld [tilespmem:$0x140]  }
0x9f: {  	[tilespmem:$0xF0] =	vst v1;
	v1 =	vadd.s32 v0, v2;
	v2 =	vld [tilespmem:$0x150]  }
0xa0: {  	[tilespmem:$0x100] =	vst v1;
	v1 =	vadd.s32 v0, v3;
	v3 =	vld [tilespmem:$0x160]  }
0xa1: {  	[tilespmem:$0x110] =	vst v1;
	v1 =	vadd.s32 v0, v4;
	v4 =	vld [tilespmem:$0x170]  }
0xa2: {  	[tilespmem:$0x120] =	vst v1;
	v1 =	vadd.s32 v0, v5;
	v5 =	vld [tilespmem:$0x180]  }
0xa3: {  	[tilespmem:$0x130] =	vst v1;
	v1 =	vadd.s32 v0, v6  }
0xa4: {  	[tilespmem:$0x140] =	vst v1;
	v1 =	vadd.s32 v0, v2  }
0xa5: {  	[tilespmem:$0x150] =	vst v1;
	v1 =	vadd.s32 v0, v3  }
0xa6: {  	[tilespmem:$0x160] =	vst v1;
	v1 =	vadd.s32 v0, v4  }
0xa7: {  	[tilespmem:$0x170] =	vst v1;
	v1 =	vadd.s32 v0, v5  }
0xa8: {  	s10 =	simm.s32 $0x0;
	[tilespmem:$0x180] =	vst v1  }
0xa9: {  	[tilespmem:s13], [sflag:$0x2] =	stream.indirect.gather [hbm4b:s3+s12], $0x10, s10, s12, $0xb8;
	[tilespmem:$0x3F00] =	vst v63  }
0xaa: {  	_ = 	snop  }
0xab: {  	[tilespmem:s14], [sflag:$0x2] =	stream.indirect.gather [hbm4b:s3+s12], $0x10, s12, s12, $0xb8;
	[tilespmem:$0x3F00] =	vst v63  }
0xac: {  	_ = 	snop  }
0xad: {  	[tilespmem:s16], [sflag:$0x2] =	stream.indirect.gather [hbm4b:s3+s12], $0x10, s15, s12, $0xb8;
	[tilespmem:$0x3F00] =	vst v63  }
0xae: {  	_ = 	snop  }
0xaf: {  	[tilespmem:s19], [sflag:$0x2] =	stream.indirect.gather [hbm4b:s3+s17], $0x10, s18, s17, $0xb8;
	[tilespmem:$0x3F00] =	vst v63  }
0xb0: {  	_ =	swait.ge [sflag:s31], $0x800  }
0xb1: {  	[sflag:s31] =	ssyncset.done $0x0  }
0xb2: {  	[sflag:s31] =	ssyncadd.s32 $0xFFFFF800  }
0xb3: {  	_ =	swait.ge [sflag:s31], $0x800  }
0xb4: {  	[sflag:s31] =	ssyncset.done $0x0  }
0xb5: {  	[sflag:s31] =	ssyncadd.s32 $0xFFFFF800  }
0xb6: {  	_ =	swait.ge [sflag:s31], $0x800  }
0xb7: {  	s6 =	sadd.s32 s6, s8;
	[sflag:s31] =	ssyncset.done $0x0  }
0xb8: {  	s6 =	smin.u32 s6, $0xFFF;
	[sflag:s31] =	ssyncadd.s32 $0xFFFFF800  }
0xb9: {  	s6 =	smul.u32 $0x50, s6;
	_ =	swait.ge [sflag:s31], $0x100  }
0xba: {  	[sflag:s31] =	ssyncset.done $0x0  }
0xbb: {  	s6 =	sadd.s32 s4, s6;
	[sflag:s31] =	ssyncadd.s32 $0xFFFFFF00  }
0xbc: {  	[tilespmem:s20], [sflag:$0x1] =	stream.linear.gather [hbm4b:s6+s10], $0x280, $0x38;
	[tilespmem:$0x3F00] =	vst v63  }
0xbd: {  	s10 =	simm.s32 $0x0  }
0xbe: {  	v2 =	vld [tilespmem:s10+$0x1E30]  }
0xbf: {  	v3 =	vld [tilespmem:s10+$0x1E00]  }
0xc0: {  	v7 =	vimm.f32 $0.0e+00;
	v4 =	vld [tilespmem:s10+$0x1E10]  }
0xc1: {  	v8 =	vimm.f32 $0.0e+00;
	v6 =	vimm.f32 $0.0e+00;
	v1 =	vimm.f32 $0.0e+00;
	s6 =	simm.s32 $0x100;
	v5 =	vld [tilespmem:s10+$0x1E20]  }
.LBB2_5:
0xc2: {  	p0 =	sne.s32 s6, $0x6300  }
.Ltmp1:
0xc3: {  	s10 =	sshra.s32 s6, $0x2;
	s6 =	sadd.s32 $0x100, s6;
	v1 =	vadd.f32 v2, v1;
	(pc) =	sbr.rel @p0 .LBB2_5-.Ltmp1, $4  }
0xc4: {  	v2 =	vld [tilespmem:s10+$0x1E30];
	v6 =	vadd.f32 v3, v6  }
0xc5: {  	v3 =	vld [tilespmem:s10+$0x1E00];
	v7 =	vadd.f32 v4, v7  }
0xc6: {  	v4 =	vld [tilespmem:s10+$0x1E10];
	v8 =	vadd.f32 v5, v8  }
0xc7: {  	v5 =	vld [tilespmem:s10+$0x1E20]  }
0xc8: {  	_ =	sdelay $0x2  }
0xc9: {  	v1 =	vadd.f32 v2, v1;
	v2 =	vadd.f32 v3, v6  }
0xca: {  	s0 =	sadd.s32 $0x1, s0;
	v3 =	vadd.f32 v4, v7;
	v63 =	vadd.f32 v5, v8  }
0xcb: {  	p0 =	sne.s32 s0, $0x40  }
.Ltmp2:
0xcc: {  	v2 =	vadd.f32 v3, v2;
	v1 =	vadd.f32 v1, v63;
	(pc) =	sbr.rel @p0 .LBB2_2-.Ltmp2, $3  }
0xcd: {  	_ = 	snop  }
0xce: {  	v1 =	vadd.f32 v1, v2;
	_ =	sdelay $0x1  }
0xcf: {  	[tilespmem:s9+$0x3710] =	vst v1  }
0xd0: {  	_ =	swait.ge [sflag:s30], $0x800  }
0xd1: {  	[sflag:s30] =	ssyncset.done $0x0  }
0xd2: {  	[sflag:s30] =	ssyncadd.s32 $0xFFFFF800  }
0xd3: {  	_ =	swait.ge [sflag:s30], $0x800  }
0xd4: {  	[sflag:s30] =	ssyncset.done $0x0  }
0xd5: {  	[sflag:s30] =	ssyncadd.s32 $0xFFFFF800  }
0xd6: {  	_ =	swait.ge [sflag:s30], $0x800  }
0xd7: {  	[sflag:s30] =	ssyncset.done $0x0  }
0xd8: {  	[sflag:s30] =	ssyncadd.s32 $0xFFFFF800  }
0xd9: {  	_ =	swait.ge [sflag:s30], $0x100  }
0xda: {  	[sflag:s30] =	ssyncset.done $0x0  }
0xdb: {  	[sflag:s30] =	ssyncadd.s32 $0xFFFFFF00  }
0xdc: {  	_ =	swait.ge [sflag:s21], $0x280  }
0xdd: {  	[sflag:s21] =	ssyncset.done $0x0  }
0xde: {  	s6 =	simm.s32 $0x3700;
	s0 =	rddreg [dreg:$0x3];
	[sflag:s21] =	ssyncadd.s32 $0xFFFFFD80  }
0xdf: {  	[hbm4b:s0+s2] =	stream.linear.scatter [tilespmem:s6], [sflag:$0x4], $0x800, $0x38;
	[tilespmem:$0x3F00] =	vst v63  }
0xe0: {  	_ =	swait.ge [sflag:s11], $0x800  }
0xe1: {  	s1 =	sadd.s32 $0x1, s1;
	s10 =	rddreg [dreg:$0x4]  }
0xe2: {  	p0 =	sne.s32 s1, s10  }
.Ltmp3:
0xe3: {  	_ = 	snop;
	(pc) =	sbr.rel @p0 .LBB2_1-.Ltmp3, $3  }
0xe4: {  	_ =	sdelay $0x1  }
0xe5: {  	[sflag:s11] =	ssyncset.done $0x0  }
0xe6: {  	[sflag:s11] =	ssyncadd.s32 $0xFFFFF800  }
0xe7: {  	_ =	sfence.sel $0x180000  }
0xe8: {  	[bflag:$0x0] =	sbarrier.arrive $0xFFFF  }
0xe9: {  	_ =	strace $0x90000047  }
0xea: {  	s0 =	stileid.u32;
	[bflag:$0x2] =	sbarrier.arrive $0xFFFF  }
0xeb: {  	p0 =	sne.s32 s0, $0x0;
	s0 =	rddreg [dreg:$0x1]  }
0xec: {  	s0 =	sadd.s32 @!p0 $0x100000, s0  }
0xed: {  	[sflag:s0] =	ssyncadd.tile.s32 @!p0 $0x1;
	_ =	shalt  }
.Lfunc_end2:
_tile_overlayer_lowered:
.L_overlay_start_2:
0xee: {  	(tag) =	ssettag $0x2  }
0xef: {  	s0 =	rddreg [dreg:$0x0];
	s2 =	stileid.u32  }
0xf0: {  	s1 =	rddreg [dreg:$0x1];
	p0 =	sne.s32 s2, $0x0  }
0xf1: {  	s3 =	rddreg [dreg:$0x2];
	[bflag:$0x3] =	sbarrier.arrive $0xFFFF;
	s2 =	simm.s32 @!p0 $0x1C04  }
0xf2: {  	[timem:s3], [sflag:s2] =	dma.local @!p0 [hbm:s0], s1  }
0xf3: {  	s0 =	simm.s32 @!p0 $0x4  }
0xf4: {  	_ =	swait.ge @!p0 [sflag:s0], s1  }
0xf5: {  	s1 =	ssub.s32 @!p0 $0x0, s1;
	[sflag:s0] =	ssyncset.done @!p0 $0x0  }
0xf6: {  	[sflag:s0] =	ssyncadd.s32 @!p0 s1  }
0xf7: {  	[bflag:$0x3] =	sbarrier.arrive $0xFFFF  }
0xf8: {  	_ =	shalt  }

</sc_bundles>
